<compile_context>
chip_gen: v7x
topology: tpu7x:2x2x1
jax: 0.10.2.dev20260603
libtpu: 0.0.44.dev20260713+nightly
codegen_flags: <defaults>
</compile_context>

<pallas_src>
import functools

import jax
import jax.numpy as jnp
from jax import lax
from jax.experimental import pallas as pl
from jax.experimental.pallas import tpu as pltpu
from jax.experimental.pallas import tpu_sc as plsc

_BS = 4
_NQ = 20000
_NGT = 50
_MT = 4
_L = 16
_NB = _NQ // _L
_NCOL = 13
_BIG = 2**30


def _lexmin(a, ai, b, bi):
    cond = (b < a) | ((b == a) & (bi < ai))
    return jnp.where(cond, b, a), jnp.where(cond, bi, ai)


def _matcher_body(src_hbm, gt_hbm, out_hbm, plane, gtv, outv):
    c = lax.axis_index("c")
    s = lax.axis_index("s")
    wid = c * 16 + s
    combo = wid // 4
    k = wid % 4
    src = combo // 4
    i = combo % 4
    r0 = jnp.where(k < 3, k * _NCOL, _NGT - _NCOL)

    pltpu.sync_copy(src_hbm.at[src, i], plane)
    pltpu.sync_copy(gt_hbm, gtv)

    def conv(b, carry):
        ds = pl.ds(b * _L, _L)
        x0 = plane[0, ds]
        y0 = plane[1, ds]
        x1 = plane[2, ds]
        y1 = plane[3, ds]
        plane[0, ds] = (x0 + x1) * 0.5
        plane[1, ds] = (y0 + y1) * 0.5
        plane[2, ds] = x1 - x0
        plane[3, ds] = y1 - y0
        return carry

    lax.fori_loop(0, _NB, conv, 0)

    inf = jnp.float32(jnp.inf)
    lane = lax.iota(jnp.int32, _L)

    def col_body(j, carry):
        r = r0 + j
        grow = gtv[pl.ds((i * _NGT + r) * 4, _L)]
        gx0 = grow[0]
        gy0 = grow[1]
        gx1 = grow[2]
        gy1 = grow[3]
        gcx = (gx0 + gx1) * 0.5
        gcy = (gy0 + gy1) * 0.5
        gw = gx1 - gx0
        gh = gy1 - gy0

        m0 = jnp.full((_L,), inf, jnp.float32)
        z = jnp.zeros((_L,), jnp.int32)
        ci0 = lax.iota(jnp.int32, _L)

        def blk(b, st):
            m1, m2, m3, m4, i1, i2, i3, i4, ci = st
            ds = pl.ds(b * _L, _L)
            cost = (jnp.abs(plane[0, ds] - gcx)
                    + jnp.abs(plane[1, ds] - gcy)
                    + jnp.abs(plane[2, ds] - gw)
                    + jnp.abs(plane[3, ds] - gh))
            cv, cvi = cost, ci
            cnd = cv < m1
            m1n = jnp.where(cnd, cv, m1)
            i1n = jnp.where(cnd, cvi, i1)
            cv, cvi = jnp.where(cnd, m1, cv), jnp.where(cnd, i1, cvi)
            cnd = cv < m2
            m2n = jnp.where(cnd, cv, m2)
            i2n = jnp.where(cnd, cvi, i2)
            cv, cvi = jnp.where(cnd, m2, cv), jnp.where(cnd, i2, cvi)
            cnd = cv < m3
            m3n = jnp.where(cnd, cv, m3)
            i3n = jnp.where(cnd, cvi, i3)
            cv, cvi = jnp.where(cnd, m3, cv), jnp.where(cnd, i3, cvi)
            cnd = cv < m4
            m4n = jnp.where(cnd, cv, m4)
            i4n = jnp.where(cnd, cvi, i4)
            return (m1n, m2n, m3n, m4n, i1n, i2n, i3n, i4n, ci + _L)

        st = lax.fori_loop(0, _NB, blk,
                           (m0, m0, m0, m0, z, z, z, z, ci0))
        m = [st[0], st[1], st[2], st[3]]
        mi = [st[4], st[5], st[6], st[7]]

        os = list(carry)
        for t in range(_MT):
            v, vi = _lexmin(m[0], mi[0], m[1], mi[1])
            w, wi = _lexmin(m[2], mi[2], m[3], mi[3])
            v, vi = _lexmin(v, vi, w, wi)
            sv = jnp.min(v)
            im = jnp.where(v == sv, vi, jnp.int32(_BIG))
            si = jnp.min(im)
            os[t] = jnp.where(lane == j, si, os[t])
            for lvl in range(_MT):
                hit = (m[lvl] == sv) & (mi[lvl] == si)
                m[lvl] = jnp.where(hit, inf, m[lvl])
        return tuple(os)

    z16 = jnp.zeros((_L,), jnp.int32)
    orows = lax.fori_loop(0, _NCOL, col_body, (z16, z16, z16, z16))
    for t in range(_MT):
        outv[t, :] = orows[t]

    pltpu.sync_copy(outv, out_hbm.at[wid])


@functools.partial(
    pl.kernel,
    out_type=jax.ShapeDtypeStruct((32, _MT, _L), jnp.int32),
    mesh=plsc.VectorSubcoreMesh(core_axis_name="c", subcore_axis_name="s"),
    compiler_params=pltpu.CompilerParams(needs_layout_passes=False),
    scratch_types=[
        pltpu.VMEM((4, _NQ), jnp.float32),
        pltpu.VMEM((_BS * _NGT * 4 + 2 * _L,), jnp.float32),
        pltpu.VMEM((_MT, _L), jnp.int32),
    ],
)
def _matcher(src_hbm, gt_hbm, out_hbm, plane, gtv, outv):
    _matcher_body(src_hbm, gt_hbm, out_hbm, plane, gtv, outv)


def kernel(pred_boxes, anchors, gt_boxes, gt_labels):
    bs, nq = pred_boxes.shape[:2]
    ngt = gt_boxes.shape[1]

    pp = pred_boxes.reshape(nq, bs, 4).transpose(1, 2, 0)
    ap = anchors.reshape(nq, bs, 4).transpose(1, 2, 0)
    src_t = jnp.stack([pp, ap])
    gt_flat = jnp.concatenate(
        [gt_boxes.reshape(-1), jnp.zeros((2 * _L,), jnp.float32)])

    out = _matcher(src_t, gt_flat)

    o = out.reshape(2, bs, 4, _MT, _L)
    full = jnp.concatenate(
        [o[:, :, 0, :, :_NCOL],
         o[:, :, 1, :, :_NCOL],
         o[:, :, 2, :, :_NCOL],
         o[:, :, 3, :, 3 * _NCOL - (_NGT - _NCOL):_NCOL]],
        axis=-1)
    idx_i = full.transpose(1, 2, 0, 3).reshape(bs, _MT * 2 * ngt)

    base_j = jnp.tile(
        jnp.concatenate([jnp.arange(ngt, dtype=jnp.int32)] * 2), _MT)
    idx_j = jnp.broadcast_to(base_j, (bs, base_j.shape[0]))
    return idx_i, idx_j

# --- scband reference (transcript-rebuilt; emitter-appended) ---
"""Pipeline reference for scband-uniform-matcher-77841987272886 (READ-ONLY COPY).

The authoritative reference and input builder live on the scoring server;
editing this copy changes nothing except your own understanding.
"""

import jax, jax.numpy as jnp
import numpy as np

MATCH_TIMES = 4


def box_xyxy_to_cxcywh(x):
    x0, y0, x1, y1 = x[..., 0], x[..., 1], x[..., 2], x[..., 3]
    return jnp.stack([(x0 + x1) / 2, (y0 + y1) / 2, x1 - x0, y1 - y0], axis=-1)


def _cdist_l1(x1, x2):
    # mimics torch.cdist(x1[P,4], x2[B,R,4], p=1) -> [B, P, R] via batch broadcasting
    return jnp.sum(jnp.abs(x1[None, :, None, :] - x2[:, None, :, :]), axis=-1)


def setup_inputs(seed: int = 0) -> dict:
    key = jax.random.key(seed)
    k1, k2, k3, k4 = jax.random.split(key, 4)
    bs, nq, ngt = 4, 20000, 50
    pred_boxes = jax.random.uniform(k1, (bs, nq, 4), dtype=jnp.float32)
    anchors = jax.random.uniform(k2, (bs, nq, 4), dtype=jnp.float32)
    gt_boxes = jax.random.uniform(k3, (bs, ngt, 4), dtype=jnp.float32)
    gt_labels = jax.random.randint(k4, (bs, ngt), 0, 80)
    return {"pred_boxes": pred_boxes, "anchors": anchors, "gt_boxes": gt_boxes, "gt_labels": gt_labels}


def reference(pred_boxes, anchors, gt_boxes, gt_labels):
    match_times = MATCH_TIMES
    bs, num_queries = pred_boxes.shape[:2]
    ngt = gt_boxes.shape[1]

    out_bbox = pred_boxes.reshape(bs * num_queries, 4)
    anc = anchors.reshape(bs * num_queries, 4)

    gt_c = box_xyxy_to_cxcywh(gt_boxes)  # [bs, ngt, 4]
    cost_bbox = _cdist_l1(box_xyxy_to_cxcywh(out_bbox), gt_c)      # [bs, bs*nq, ngt]
    cost_bbox_anchors = _cdist_l1(box_xyxy_to_cxcywh(anc), gt_c)   # [bs, bs*nq, ngt]

    # faithful to torch .view(bs, num_queries, -1)
    C = cost_bbox.reshape(bs, num_queries, -1)    # [bs, nq, bs*ngt]
    C1 = cost_bbox_anchors.reshape(bs, num_queries, -1)

    idx_i_list = []
    idx_j_list = []
    base_j = jnp.tile(jnp.concatenate([jnp.arange(ngt), jnp.arange(ngt)]), match_times)
    for i in range(bs):
        # split along last dim into chunks of ngt, take chunk i, batch i
        c = C[i, :, i * ngt:(i + 1) * ngt]    # [nq, ngt]
        c1 = C1[i, :, i * ngt:(i + 1) * ngt]  # [nq, ngt]
        # torch.topk(..., largest=False) indices == argsort ascending, first k
        idx = jnp.argsort(c, axis=0)[:match_times]    # [mt, ngt]
        idx1 = jnp.argsort(c1, axis=0)[:match_times]  # [mt, ngt]
        # per t: concat(idx[t], idx1[t]); hstack over t
        img_i = jnp.concatenate([idx, idx1], axis=1).reshape(-1)  # [mt*2*ngt]
        idx_i_list.append(img_i)
        idx_j_list.append(base_j)

    idx_i_all = jnp.stack(idx_i_list)  # [bs, mt*2*ngt]
    idx_j_all = jnp.stack(idx_j_list)  # [bs, mt*2*ngt]
    return (idx_i_all, idx_j_all)

if __name__ == "__main__":
    import jax
    _d = setup_inputs()
    print(jax.jit(kernel)(*tuple(_d.values())))

</pallas_src>

<mosaic_0001>
#map = affine_map<(d0, d1) -> (0, 0, 0, 0)>
#map1 = affine_map<(d0, d1) -> (0)>
#map2 = affine_map<(d0, d1) -> (0, 0, 0)>
module attributes {stable_mosaic.version = 14 : i64} {
  func.func @_matcher(%arg0: i32, %arg1: i32, %arg2: memref<2x4x4x20000xf32, #tpu.memory_space<hbm>>, %arg3: memref<832xf32, #tpu.memory_space<hbm>>, %arg4: memref<32x4x16xi32, #tpu.memory_space<hbm>>, %arg5: memref<4x20000xf32, #tpu.memory_space<vmem>>, %arg6: memref<832xf32, #tpu.memory_space<vmem>>, %arg7: memref<4x16xi32, #tpu.memory_space<vmem>>) attributes {dimension_semantics = [#tpu.dimension_semantics<core_parallel>, #tpu.dimension_semantics<subcore_parallel>], iteration_bounds = array<i64: 2, 16>, scalar_prefetch = 0 : i64, scratch_operands = 3 : i64, tpu.core_type = #tpu.core_type<sc_vector_subcore>, window_params = [{transform_indices = #map}, {transform_indices = #map1}, {transform_indices = #map2}]} {
    %mul3A = arith.constant 16 : i32
    %mul3A_0 = arith.muli %arg0, %mul3A : i32
    %add3A = arith.addi %mul3A_0, %arg1 : i32
    %jit3A = arith.constant 4 : i32
    %div3A = arith.divsi %add3A, %jit3A : i32
    %sign3A = arith.constant 0 : i32
    %sign3A_1 = arith.cmpi sgt, %add3A, %sign3A : i32
    %sign3A_2 = arith.extui %sign3A_1 : i1 to i32
    %sign3A_3 = arith.constant 0 : i32
    %sign3A_4 = arith.cmpi slt, %add3A, %sign3A_3 : i32
    %sign3A_5 = arith.extui %sign3A_4 : i1 to i32
    %sign3A_6 = arith.subi %sign3A_2, %sign3A_5 : i32
    %sign3A_7 = arith.constant 0 : i32
    %sign3A_8 = arith.cmpi sgt, %jit3A, %sign3A_7 : i32
    %sign3A_9 = arith.extui %sign3A_8 : i1 to i32
    %sign3A_10 = arith.constant 0 : i32
    %sign3A_11 = arith.cmpi slt, %jit3A, %sign3A_10 : i32
    %sign3A_12 = arith.extui %sign3A_11 : i1 to i32
    %sign3A_13 = arith.subi %sign3A_9, %sign3A_12 : i32
    %ne3A = arith.cmpi ne, %sign3A_6, %sign3A_13 : i32
    %rem3A = arith.remsi %add3A, %jit3A : i32
    %ne3A_14 = arith.constant 0 : i32
    %ne3A_15 = arith.cmpi ne, %rem3A, %ne3A_14 : i32
    %and3A = arith.andi %ne3A, %ne3A_15 : i1
    %sub3A = arith.constant 1 : i32
    %sub3A_16 = arith.subi %div3A, %sub3A : i32
    %select_n3A = arith.select %and3A, %sub3A_16, %div3A : i32
    %jit3A_17 = arith.constant 4 : i32
    %eq3A = arith.constant 0 : i32
    %eq3A_18 = arith.cmpi eq, %jit3A_17, %eq3A : i32
    %jit3A_19 = arith.constant 1 : i32
    %select_n3A_20 = arith.select %eq3A_18, %jit3A_19, %jit3A_17 : i32
    %rem3A_21 = arith.remsi %add3A, %select_n3A_20 : i32
    %ne3A_22 = arith.constant 0 : i32
    %ne3A_23 = arith.cmpi ne, %rem3A_21, %ne3A_22 : i32
    %lt3A = arith.constant 0 : i32
    %lt3A_24 = arith.cmpi slt, %rem3A_21, %lt3A : i32
    %lt3A_25 = arith.constant 0 : i32
    %lt3A_26 = arith.cmpi slt, %select_n3A_20, %lt3A_25 : i32
    %ne3A_27 = arith.xori %lt3A_24, %lt3A_26 : i1
    %and3A_28 = arith.andi %ne3A_27, %ne3A_23 : i1
    %add3A_29 = arith.addi %rem3A_21, %select_n3A_20 : i32
    %select_n3A_30 = arith.select %and3A_28, %add3A_29, %rem3A_21 : i32
    %jit3A_31 = arith.constant 4 : i32
    %div3A_32 = arith.divsi %select_n3A, %jit3A_31 : i32
    %sign3A_33 = arith.constant 0 : i32
    %sign3A_34 = arith.cmpi sgt, %select_n3A, %sign3A_33 : i32
    %sign3A_35 = arith.extui %sign3A_34 : i1 to i32
    %sign3A_36 = arith.constant 0 : i32
    %sign3A_37 = arith.cmpi slt, %select_n3A, %sign3A_36 : i32
    %sign3A_38 = arith.extui %sign3A_37 : i1 to i32
    %sign3A_39 = arith.subi %sign3A_35, %sign3A_38 : i32
    %sign3A_40 = arith.constant 0 : i32
    %sign3A_41 = arith.cmpi sgt, %jit3A_31, %sign3A_40 : i32
    %sign3A_42 = arith.extui %sign3A_41 : i1 to i32
    %sign3A_43 = arith.constant 0 : i32
    %sign3A_44 = arith.cmpi slt, %jit3A_31, %sign3A_43 : i32
    %sign3A_45 = arith.extui %sign3A_44 : i1 to i32
    %sign3A_46 = arith.subi %sign3A_42, %sign3A_45 : i32
    %ne3A_47 = arith.cmpi ne, %sign3A_39, %sign3A_46 : i32
    %rem3A_48 = arith.remsi %select_n3A, %jit3A_31 : i32
    %ne3A_49 = arith.constant 0 : i32
    %ne3A_50 = arith.cmpi ne, %rem3A_48, %ne3A_49 : i32
    %and3A_51 = arith.andi %ne3A_47, %ne3A_50 : i1
    %sub3A_52 = arith.constant 1 : i32
    %sub3A_53 = arith.subi %div3A_32, %sub3A_52 : i32
    %select_n3A_54 = arith.select %and3A_51, %sub3A_53, %div3A_32 : i32
    %jit3A_55 = arith.constant 4 : i32
    %eq3A_56 = arith.constant 0 : i32
    %eq3A_57 = arith.cmpi eq, %jit3A_55, %eq3A_56 : i32
    %jit3A_58 = arith.constant 1 : i32
    %select_n3A_59 = arith.select %eq3A_57, %jit3A_58, %jit3A_55 : i32
    %rem3A_60 = arith.remsi %select_n3A, %select_n3A_59 : i32
    %ne3A_61 = arith.constant 0 : i32
    %ne3A_62 = arith.cmpi ne, %rem3A_60, %ne3A_61 : i32
    %lt3A_63 = arith.constant 0 : i32
    %lt3A_64 = arith.cmpi slt, %rem3A_60, %lt3A_63 : i32
    %lt3A_65 = arith.constant 0 : i32
    %lt3A_66 = arith.cmpi slt, %select_n3A_59, %lt3A_65 : i32
    %ne3A_67 = arith.xori %lt3A_64, %lt3A_66 : i1
    %and3A_68 = arith.andi %ne3A_67, %ne3A_62 : i1
    %add3A_69 = arith.addi %rem3A_60, %select_n3A_59 : i32
    %select_n3A_70 = arith.select %and3A_68, %add3A_69, %rem3A_60 : i32
    %lt3A_71 = arith.constant 3 : i32
    %lt3A_72 = arith.cmpi slt, %select_n3A_30, %lt3A_71 : i32
    %mul3A_73 = arith.constant 13 : i32
    %mul3A_74 = arith.muli %select_n3A_30, %mul3A_73 : i32
    %jit3A_75 = arith.constant 37 : i32
    %select_n3A_76 = arith.select %lt3A_72, %mul3A_74, %jit3A_75 : i32
    "tpu.region"() ({
      %run_scoped3A = tpu.sem_alloc : memref<!tpu.dma_semaphore, #tpu.memory_space<semaphore_mem>>
      %dma_start3A = arith.constant 0 : i32
      %dma_start3A_105 = arith.constant 0 : i32
      %dma_start3A_106 = tpu.memref_slice %arg2[%select_n3A_54, %select_n3A_70, %dma_start3A, %dma_start3A_105] : memref<2x4x4x20000xf32, #tpu.memory_space<hbm>> -> memref<1x1x4x20000xf32, #tpu.memory_space<hbm>>
      %dma_start3A_107 = tpu.memref_squeeze %dma_start3A_106 : memref<1x1x4x20000xf32, #tpu.memory_space<hbm>> -> memref<4x20000xf32, #tpu.memory_space<hbm>>
      %dma_start3A_108 = arith.constant 0 : i32
      %dma_start3A_109 = arith.constant 0 : i32
      %dma_start3A_110 = tpu.memref_slice %arg2[%select_n3A_54, %select_n3A_70, %dma_start3A_108, %dma_start3A_109] : memref<2x4x4x20000xf32, #tpu.memory_space<hbm>> -> memref<1x1x4x20000xf32, #tpu.memory_space<hbm>>
      %dma_start3A_111 = tpu.memref_squeeze %dma_start3A_110 : memref<1x1x4x20000xf32, #tpu.memory_space<hbm>> -> memref<4x20000xf32, #tpu.memory_space<hbm>>
      tpu.enqueue_dma source(%dma_start3A_111 : memref<4x20000xf32, #tpu.memory_space<hbm>>) target(%arg5 : memref<4x20000xf32, #tpu.memory_space<vmem>>) target_semaphore(%run_scoped3A : memref<!tpu.dma_semaphore, #tpu.memory_space<semaphore_mem>>)
      %dma_wait3A = arith.constant 0 : i32
      %dma_wait3A_112 = arith.constant 0 : i32
      %dma_wait3A_113 = tpu.memref_slice %arg2[%select_n3A_54, %select_n3A_70, %dma_wait3A, %dma_wait3A_112] : memref<2x4x4x20000xf32, #tpu.memory_space<hbm>> -> memref<1x1x4x20000xf32, #tpu.memory_space<hbm>>
      %dma_wait3A_114 = tpu.memref_squeeze %dma_wait3A_113 : memref<1x1x4x20000xf32, #tpu.memory_space<hbm>> -> memref<4x20000xf32, #tpu.memory_space<hbm>>
      %dma_wait3A_115 = arith.constant 0 : i32
      %dma_wait3A_116 = arith.constant 0 : i32
      %dma_wait3A_117 = tpu.memref_slice %arg2[%select_n3A_54, %select_n3A_70, %dma_wait3A_115, %dma_wait3A_116] : memref<2x4x4x20000xf32, #tpu.memory_space<hbm>> -> memref<1x1x4x20000xf32, #tpu.memory_space<hbm>>
      %dma_wait3A_118 = tpu.memref_squeeze %dma_wait3A_117 : memref<1x1x4x20000xf32, #tpu.memory_space<hbm>> -> memref<4x20000xf32, #tpu.memory_space<hbm>>
      tpu.wait_dma2 semaphore(%run_scoped3A : memref<!tpu.dma_semaphore, #tpu.memory_space<semaphore_mem>>) src(%dma_wait3A_118 : memref<4x20000xf32, #tpu.memory_space<hbm>>) dst(%arg5 : memref<4x20000xf32, #tpu.memory_space<vmem>>)
      tpu.yield
    }) : () -> ()
    "tpu.region"() ({
      %run_scoped3A = tpu.sem_alloc : memref<!tpu.dma_semaphore, #tpu.memory_space<semaphore_mem>>
      tpu.enqueue_dma source(%arg3 : memref<832xf32, #tpu.memory_space<hbm>>) target(%arg6 : memref<832xf32, #tpu.memory_space<vmem>>) target_semaphore(%run_scoped3A : memref<!tpu.dma_semaphore, #tpu.memory_space<semaphore_mem>>)
      tpu.wait_dma2 semaphore(%run_scoped3A : memref<!tpu.dma_semaphore, #tpu.memory_space<semaphore_mem>>) src(%arg3 : memref<832xf32, #tpu.memory_space<hbm>>) dst(%arg6 : memref<832xf32, #tpu.memory_space<vmem>>)
      tpu.yield
    }) : () -> ()
    %scan3A = arith.constant 0 : i32
    %scan3A_77 = arith.constant 0 : i32
    %scan3A_78 = arith.constant 1250 : i32
    %scan3A_79 = arith.addi %scan3A_77, %scan3A_78 : i32
    %scan3A_80 = arith.constant 1 : i32
    scf.for %scan3A_105 = %scan3A_77 to %scan3A_79 step %scan3A_80  : i32 {
      %mul3A_106 = arith.constant 16 : i32
      %mul3A_107 = arith.muli %scan3A_105, %mul3A_106 : i32
      %get3A = arith.constant 0 : i32
      %get3A_108 = arith.index_cast %get3A : i32 to index
      %get3A_109 = arith.index_cast %mul3A_107 : i32 to index
      %get3A_110 = tpu.vector_load %arg5[%get3A_108, %get3A_109] {strides = array<i32>} : memref<4x20000xf32, #tpu.memory_space<vmem>>, vector<16xf32>,
      %get3A_111 = arith.constant 1 : i32
      %get3A_112 = arith.index_cast %get3A_111 : i32 to index
      %get3A_113 = arith.index_cast %mul3A_107 : i32 to index
      %get3A_114 = tpu.vector_load %arg5[%get3A_112, %get3A_113] {strides = array<i32>} : memref<4x20000xf32, #tpu.memory_space<vmem>>, vector<16xf32>,
      %get3A_115 = arith.constant 2 : i32
      %get3A_116 = arith.index_cast %get3A_115 : i32 to index
      %get3A_117 = arith.index_cast %mul3A_107 : i32 to index
      %get3A_118 = tpu.vector_load %arg5[%get3A_116, %get3A_117] {strides = array<i32>} : memref<4x20000xf32, #tpu.memory_space<vmem>>, vector<16xf32>,
      %get3A_119 = arith.constant 3 : i32
      %get3A_120 = arith.index_cast %get3A_119 : i32 to index
      %get3A_121 = arith.index_cast %mul3A_107 : i32 to index
      %get3A_122 = tpu.vector_load %arg5[%get3A_120, %get3A_121] {strides = array<i32>} : memref<4x20000xf32, #tpu.memory_space<vmem>>, vector<16xf32>,
      %add3A_123 = arith.addf %get3A_110, %get3A_118 : vector<16xf32>
      %mul3A_124 = arith.constant 5.000000e-01 : f32
      %mul3A_125 = vector.broadcast %mul3A_124 : f32 to vector<16xf32>
      %mul3A_126 = arith.mulf %add3A_123, %mul3A_125 : vector<16xf32>
      %swap3A_127 = arith.constant 0 : i32
      %swap3A_128 = arith.index_cast %swap3A_127 : i32 to index
      %swap3A_129 = arith.index_cast %mul3A_107 : i32 to index
      %swap3A_130 = tpu.vector_load %arg5[%swap3A_128, %swap3A_129] {strides = array<i32>} : memref<4x20000xf32, #tpu.memory_space<vmem>>, vector<16xf32>,
      tpu.vector_store %arg5[%swap3A_128, %swap3A_129], %mul3A_126 {strides = array<i32>} : memref<4x20000xf32, #tpu.memory_space<vmem>>, vector<16xf32>,
      %add3A_131 = arith.addf %get3A_114, %get3A_122 : vector<16xf32>
      %mul3A_132 = arith.constant 5.000000e-01 : f32
      %mul3A_133 = vector.broadcast %mul3A_132 : f32 to vector<16xf32>
      %mul3A_134 = arith.mulf %add3A_131, %mul3A_133 : vector<16xf32>
      %swap3A_135 = arith.constant 1 : i32
      %swap3A_136 = arith.index_cast %swap3A_135 : i32 to index
      %swap3A_137 = arith.index_cast %mul3A_107 : i32 to index
      %swap3A_138 = tpu.vector_load %arg5[%swap3A_136, %swap3A_137] {strides = array<i32>} : memref<4x20000xf32, #tpu.memory_space<vmem>>, vector<16xf32>,
      tpu.vector_store %arg5[%swap3A_136, %swap3A_137], %mul3A_134 {strides = array<i32>} : memref<4x20000xf32, #tpu.memory_space<vmem>>, vector<16xf32>,
      %sub3A_139 = arith.subf %get3A_118, %get3A_110 : vector<16xf32>
      %swap3A_140 = arith.constant 2 : i32
      %swap3A_141 = arith.index_cast %swap3A_140 : i32 to index
      %swap3A_142 = arith.index_cast %mul3A_107 : i32 to index
      %swap3A_143 = tpu.vector_load %arg5[%swap3A_141, %swap3A_142] {strides = array<i32>} : memref<4x20000xf32, #tpu.memory_space<vmem>>, vector<16xf32>,
      tpu.vector_store %arg5[%swap3A_141, %swap3A_142], %sub3A_139 {strides = array<i32>} : memref<4x20000xf32, #tpu.memory_space<vmem>>, vector<16xf32>,
      %sub3A_144 = arith.subf %get3A_122, %get3A_114 : vector<16xf32>
      %swap3A_145 = arith.constant 3 : i32
      %swap3A_146 = arith.index_cast %swap3A_145 : i32 to index
      %swap3A_147 = arith.index_cast %mul3A_107 : i32 to index
      %swap3A_148 = tpu.vector_load %arg5[%swap3A_146, %swap3A_147] {strides = array<i32>} : memref<4x20000xf32, #tpu.memory_space<vmem>>, vector<16xf32>,
      tpu.vector_store %arg5[%swap3A_146, %swap3A_147], %sub3A_144 {strides = array<i32>} : memref<4x20000xf32, #tpu.memory_space<vmem>>, vector<16xf32>,
    }
    %scan3A_81 = arith.constant 1250 : i32
    %iota3A = tpu.iota {dimensions = array<i32: 0>} : vector<16xi32>
    %broadcast_in_dim3A = arith.constant 0 : i32
    %broadcast_in_dim3A_82 = vector.broadcast %broadcast_in_dim3A : i32 to vector<16xi32>
    %scan3A_83 = arith.constant 0x7F800000 : f32
    %scan3A_84 = arith.constant 0 : i32
    %scan3A_85 = arith.constant 13 : i32
    %scan3A_86 = arith.addi %scan3A_84, %scan3A_85 : i32
    %scan3A_87 = arith.constant 1 : i32
    %scan3A_88:4 = scf.for %scan3A_105 = %scan3A_84 to %scan3A_86 step %scan3A_87 iter_args(%scan3A_106 = %broadcast_in_dim3A_82, %scan3A_107 = %broadcast_in_dim3A_82, %scan3A_108 = %broadcast_in_dim3A_82, %scan3A_109 = %broadcast_in_dim3A_82) -> (vector<16xi32>, vector<16xi32>, vector<16xi32>, vector<16xi32>)  : i32 {
      %add3A_110 = arith.addi %select_n3A_76, %scan3A_105 : i32
      %mul3A_111 = arith.constant 50 : i32
      %mul3A_112 = arith.muli %select_n3A_70, %mul3A_111 : i32
      %add3A_113 = arith.addi %mul3A_112, %add3A_110 : i32
      %mul3A_114 = arith.constant 4 : i32
      %mul3A_115 = arith.muli %add3A_113, %mul3A_114 : i32
      %get3A = arith.index_cast %mul3A_115 : i32 to index
      %get3A_116 = tpu.vector_load %arg6[%get3A] {strides = array<i32>} : memref<832xf32, #tpu.memory_space<vmem>>, vector<16xf32>,
      %slice3A = vector.extract_strided_slice %get3A_116 {offsets = [0], sizes = [1], strides = [1]} : vector<16xf32> to vector<1xf32>
      %squeeze3A = vector.extract %slice3A[0] : f32 from vector<1xf32>
      %slice3A_117 = vector.extract_strided_slice %get3A_116 {offsets = [1], sizes = [1], strides = [1]} : vector<16xf32> to vector<1xf32>
      %squeeze3A_118 = vector.extract %slice3A_117[0] : f32 from vector<1xf32>
      %slice3A_119 = vector.extract_strided_slice %get3A_116 {offsets = [2], sizes = [1], strides = [1]} : vector<16xf32> to vector<1xf32>
      %squeeze3A_120 = vector.extract %slice3A_119[0] : f32 from vector<1xf32>
      %slice3A_121 = vector.extract_strided_slice %get3A_116 {offsets = [3], sizes = [1], strides = [1]} : vector<16xf32> to vector<1xf32>
      %squeeze3A_122 = vector.extract %slice3A_121[0] : f32 from vector<1xf32>
      %add3A_123 = arith.addf %squeeze3A, %squeeze3A_120 : f32
      %mul3A_124 = arith.constant 5.000000e-01 : f32
      %mul3A_125 = arith.mulf %add3A_123, %mul3A_124 : f32
      %add3A_126 = arith.addf %squeeze3A_118, %squeeze3A_122 : f32
      %mul3A_127 = arith.constant 5.000000e-01 : f32
      %mul3A_128 = arith.mulf %add3A_126, %mul3A_127 : f32
      %sub3A_129 = arith.subf %squeeze3A_120, %squeeze3A : f32
      %sub3A_130 = arith.subf %squeeze3A_122, %squeeze3A_118 : f32
      %broadcast_in_dim3A_131 = vector.broadcast %scan3A_83 : f32 to vector<16xf32>
      %broadcast_in_dim3A_132 = arith.constant 0 : i32
      %broadcast_in_dim3A_133 = vector.broadcast %broadcast_in_dim3A_132 : i32 to vector<16xi32>
      %iota3A_134 = tpu.iota {dimensions = array<i32: 0>} : vector<16xi32>
      %scan3A_135 = arith.constant 0 : i32
      %scan3A_136 = arith.constant 1250 : i32
      %scan3A_137 = arith.addi %scan3A_135, %scan3A_136 : i32
      %scan3A_138 = arith.constant 1 : i32
      %scan3A_139:9 = scf.for %scan3A_419 = %scan3A_135 to %scan3A_137 step %scan3A_138 iter_args(%scan3A_420 = %broadcast_in_dim3A_131, %scan3A_421 = %broadcast_in_dim3A_131, %scan3A_422 = %broadcast_in_dim3A_131, %scan3A_423 = %broadcast_in_dim3A_131, %scan3A_424 = %broadcast_in_dim3A_133, %scan3A_425 = %broadcast_in_dim3A_133, %scan3A_426 = %broadcast_in_dim3A_133, %scan3A_427 = %broadcast_in_dim3A_133, %scan3A_428 = %iota3A_134) -> (vector<16xf32>, vector<16xf32>, vector<16xf32>, vector<16xf32>, vector<16xi32>, vector<16xi32>, vector<16xi32>, vector<16xi32>, vector<16xi32>)  : i32 {
        %mul3A_429 = arith.constant 16 : i32
        %mul3A_430 = arith.muli %scan3A_419, %mul3A_429 : i32
        %get3A_431 = arith.constant 0 : i32
        %get3A_432 = arith.index_cast %get3A_431 : i32 to index
        %get3A_433 = arith.index_cast %mul3A_430 : i32 to index
        %get3A_434 = tpu.vector_load %arg5[%get3A_432, %get3A_433] {strides = array<i32>} : memref<4x20000xf32, #tpu.memory_space<vmem>>, vector<16xf32>,
        %sub3A_435 = vector.broadcast %mul3A_125 : f32 to vector<16xf32>
        %sub3A_436 = arith.subf %get3A_434, %sub3A_435 : vector<16xf32>
        %abs3A = math.absf %sub3A_436 : vector<16xf32>
        %get3A_437 = arith.constant 1 : i32
        %get3A_438 = arith.index_cast %get3A_437 : i32 to index
        %get3A_439 = arith.index_cast %mul3A_430 : i32 to index
        %get3A_440 = tpu.vector_load %arg5[%get3A_438, %get3A_439] {strides = array<i32>} : memref<4x20000xf32, #tpu.memory_space<vmem>>, vector<16xf32>,
        %sub3A_441 = vector.broadcast %mul3A_128 : f32 to vector<16xf32>
        %sub3A_442 = arith.subf %get3A_440, %sub3A_441 : vector<16xf32>
        %abs3A_443 = math.absf %sub3A_442 : vector<16xf32>
        %add3A_444 = arith.addf %abs3A, %abs3A_443 : vector<16xf32>
        %get3A_445 = arith.constant 2 : i32
        %get3A_446 = arith.index_cast %get3A_445 : i32 to index
        %get3A_447 = arith.index_cast %mul3A_430 : i32 to index
        %get3A_448 = tpu.vector_load %arg5[%get3A_446, %get3A_447] {strides = array<i32>} : memref<4x20000xf32, #tpu.memory_space<vmem>>, vector<16xf32>,
        %sub3A_449 = vector.broadcast %sub3A_129 : f32 to vector<16xf32>
        %sub3A_450 = arith.subf %get3A_448, %sub3A_449 : vector<16xf32>
        %abs3A_451 = math.absf %sub3A_450 : vector<16xf32>
        %add3A_452 = arith.addf %add3A_444, %abs3A_451 : vector<16xf32>
        %get3A_453 = arith.constant 3 : i32
        %get3A_454 = arith.index_cast %get3A_453 : i32 to index
        %get3A_455 = arith.index_cast %mul3A_430 : i32 to index
        %get3A_456 = tpu.vector_load %arg5[%get3A_454, %get3A_455] {strides = array<i32>} : memref<4x20000xf32, #tpu.memory_space<vmem>>, vector<16xf32>,
        %sub3A_457 = vector.broadcast %sub3A_130 : f32 to vector<16xf32>
        %sub3A_458 = arith.subf %get3A_456, %sub3A_457 : vector<16xf32>
        %abs3A_459 = math.absf %sub3A_458 : vector<16xf32>
        %add3A_460 = arith.addf %add3A_452, %abs3A_459 : vector<16xf32>
        %lt3A_461 = arith.cmpf olt, %add3A_460, %scan3A_420 : vector<16xf32>
        %select_n3A_462 = arith.select %lt3A_461, %add3A_460, %scan3A_420 : vector<16xi1>, vector<16xf32>
        %select_n3A_463 = arith.select %lt3A_461, %scan3A_428, %scan3A_424 : vector<16xi1>, vector<16xi32>
        %select_n3A_464 = arith.select %lt3A_461, %scan3A_420, %add3A_460 : vector<16xi1>, vector<16xf32>
        %select_n3A_465 = arith.select %lt3A_461, %scan3A_424, %scan3A_428 : vector<16xi1>, vector<16xi32>
        %lt3A_466 = arith.cmpf olt, %select_n3A_464, %scan3A_421 : vector<16xf32>
        %select_n3A_467 = arith.select %lt3A_466, %select_n3A_464, %scan3A_421 : vector<16xi1>, vector<16xf32>
        %select_n3A_468 = arith.select %lt3A_466, %select_n3A_465, %scan3A_425 : vector<16xi1>, vector<16xi32>
        %select_n3A_469 = arith.select %lt3A_466, %scan3A_421, %select_n3A_464 : vector<16xi1>, vector<16xf32>
        %select_n3A_470 = arith.select %lt3A_466, %scan3A_425, %select_n3A_465 : vector<16xi1>, vector<16xi32>
        %lt3A_471 = arith.cmpf olt, %select_n3A_469, %scan3A_422 : vector<16xf32>
        %select_n3A_472 = arith.select %lt3A_471, %select_n3A_469, %scan3A_422 : vector<16xi1>, vector<16xf32>
        %select_n3A_473 = arith.select %lt3A_471, %select_n3A_470, %scan3A_426 : vector<16xi1>, vector<16xi32>
        %select_n3A_474 = arith.select %lt3A_471, %scan3A_422, %select_n3A_469 : vector<16xi1>, vector<16xf32>
        %select_n3A_475 = arith.select %lt3A_471, %scan3A_426, %select_n3A_470 : vector<16xi1>, vector<16xi32>
        %lt3A_476 = arith.cmpf olt, %select_n3A_474, %scan3A_423 : vector<16xf32>
        %select_n3A_477 = arith.select %lt3A_476, %select_n3A_474, %scan3A_423 : vector<16xi1>, vector<16xf32>
        %select_n3A_478 = arith.select %lt3A_476, %select_n3A_475, %scan3A_427 : vector<16xi1>, vector<16xi32>
        %add3A_479 = arith.constant 16 : i32
        %add3A_480 = vector.broadcast %add3A_479 : i32 to vector<16xi32>
        %add3A_481 = arith.addi %scan3A_428, %add3A_480 : vector<16xi32>
        scf.yield %select_n3A_462, %select_n3A_467, %select_n3A_472, %select_n3A_477, %select_n3A_463, %select_n3A_468, %select_n3A_473, %select_n3A_478, %add3A_481 : vector<16xf32>, vector<16xf32>, vector<16xf32>, vector<16xf32>, vector<16xi32>, vector<16xi32>, vector<16xi32>, vector<16xi32>, vector<16xi32>
      }
      %scan3A_140 = arith.constant 1250 : i32
      %lt3A_141 = arith.cmpf olt, %scan3A_139#1, %scan3A_139#0 : vector<16xf32>
      %eq3A_142 = arith.cmpf oeq, %scan3A_139#1, %scan3A_139#0 : vector<16xf32>
      %lt3A_143 = arith.cmpi slt, %scan3A_139#5, %scan3A_139#4 : vector<16xi32>
      %and3A_144 = arith.andi %eq3A_142, %lt3A_143 : vector<16xi1>
      %or3A = arith.ori %lt3A_141, %and3A_144 : vector<16xi1>
      %select_n3A_145 = arith.select %or3A, %scan3A_139#1, %scan3A_139#0 : vector<16xi1>, vector<16xf32>
      %select_n3A_146 = arith.select %or3A, %scan3A_139#5, %scan3A_139#4 : vector<16xi1>, vector<16xi32>
      %lt3A_147 = arith.cmpf olt, %scan3A_139#3, %scan3A_139#2 : vector<16xf32>
      %eq3A_148 = arith.cmpf oeq, %scan3A_139#3, %scan3A_139#2 : vector<16xf32>
      %lt3A_149 = arith.cmpi slt, %scan3A_139#7, %scan3A_139#6 : vector<16xi32>
      %and3A_150 = arith.andi %eq3A_148, %lt3A_149 : vector<16xi1>
      %or3A_151 = arith.ori %lt3A_147, %and3A_150 : vector<16xi1>
      %select_n3A_152 = arith.select %or3A_151, %scan3A_139#3, %scan3A_139#2 : vector<16xi1>, vector<16xf32>
      %select_n3A_153 = arith.select %or3A_151, %scan3A_139#7, %scan3A_139#6 : vector<16xi1>, vector<16xi32>
      %lt3A_154 = arith.cmpf olt, %select_n3A_152, %select_n3A_145 : vector<16xf32>
      %eq3A_155 = arith.cmpf oeq, %select_n3A_152, %select_n3A_145 : vector<16xf32>
      %lt3A_156 = arith.cmpi slt, %select_n3A_153, %select_n3A_146 : vector<16xi32>
      %and3A_157 = arith.andi %eq3A_155, %lt3A_156 : vector<16xi1>
      %or3A_158 = arith.ori %lt3A_154, %and3A_157 : vector<16xi1>
      %select_n3A_159 = arith.select %or3A_158, %select_n3A_152, %select_n3A_145 : vector<16xi1>, vector<16xf32>
      %select_n3A_160 = arith.select %or3A_158, %select_n3A_153, %select_n3A_146 : vector<16xi1>, vector<16xi32>
      %reduce_min3A = arith.constant true
      %reduce_min3A_161 = vector.broadcast %reduce_min3A : i1 to vector<16xi1>
      %reduce_min3A_162 = tpu.scan <min>, %select_n3A_159 masked %reduce_min3A_161 : vector<16xf32>, vector<16xi1> -> vector<16xf32>
      %reduce_min3A_163 = vector.extract %reduce_min3A_162[15] : f32 from vector<16xf32>
      %eq3A_164 = vector.broadcast %reduce_min3A_163 : f32 to vector<16xf32>
      %eq3A_165 = arith.cmpf oeq, %select_n3A_159, %eq3A_164 : vector<16xf32>
      %jit3A_166 = arith.constant 1073741824 : i32
      %broadcast_in_dim3A_167 = vector.broadcast %jit3A_166 : i32 to vector<16xi32>
      %select_n3A_168 = arith.select %eq3A_165, %select_n3A_160, %broadcast_in_dim3A_167 : vector<16xi1>, vector<16xi32>
      %reduce_min3A_169 = arith.constant true
      %reduce_min3A_170 = vector.broadcast %reduce_min3A_169 : i1 to vector<16xi1>
      %reduce_min3A_171 = arith.constant -2147483648 : i32
      %reduce_min3A_172 = vector.broadcast %reduce_min3A_171 : i32 to vector<16xi32>
      %reduce_min3A_173 = arith.xori %select_n3A_168, %reduce_min3A_172 : vector<16xi32>
      %reduce_min3A_174 = tpu.scan <min>, %reduce_min3A_173 masked %reduce_min3A_170 : vector<16xi32>, vector<16xi1> -> vector<16xi32>
      %reduce_min3A_175 = arith.xori %reduce_min3A_174, %reduce_min3A_172 : vector<16xi32>
      %reduce_min3A_176 = vector.extract %reduce_min3A_175[15] : i32 from vector<16xi32>
      %eq3A_177 = vector.broadcast %scan3A_105 : i32 to vector<16xi32>
      %eq3A_178 = arith.cmpi eq, %iota3A, %eq3A_177 : vector<16xi32>
      %broadcast_in_dim3A_179 = vector.broadcast %reduce_min3A_176 : i32 to vector<16xi32>
      %select_n3A_180 = arith.select %eq3A_178, %broadcast_in_dim3A_179, %scan3A_106 : vector<16xi1>, vector<16xi32>
      %eq3A_181 = vector.broadcast %reduce_min3A_163 : f32 to vector<16xf32>
      %eq3A_182 = arith.cmpf oeq, %scan3A_139#0, %eq3A_181 : vector<16xf32>
      %eq3A_183 = vector.broadcast %reduce_min3A_176 : i32 to vector<16xi32>
      %eq3A_184 = arith.cmpi eq, %scan3A_139#4, %eq3A_183 : vector<16xi32>
      %and3A_185 = arith.andi %eq3A_182, %eq3A_184 : vector<16xi1>
      %broadcast_in_dim3A_186 = vector.broadcast %scan3A_83 : f32 to vector<16xf32>
      %select_n3A_187 = arith.select %and3A_185, %broadcast_in_dim3A_186, %scan3A_139#0 : vector<16xi1>, vector<16xf32>
      %eq3A_188 = vector.broadcast %reduce_min3A_163 : f32 to vector<16xf32>
      %eq3A_189 = arith.cmpf oeq, %scan3A_139#1, %eq3A_188 : vector<16xf32>
      %eq3A_190 = vector.broadcast %reduce_min3A_176 : i32 to vector<16xi32>
      %eq3A_191 = arith.cmpi eq, %scan3A_139#5, %eq3A_190 : vector<16xi32>
      %and3A_192 = arith.andi %eq3A_189, %eq3A_191 : vector<16xi1>
      %broadcast_in_dim3A_193 = vector.broadcast %scan3A_83 : f32 to vector<16xf32>
      %select_n3A_194 = arith.select %and3A_192, %broadcast_in_dim3A_193, %scan3A_139#1 : vector<16xi1>, vector<16xf32>
      %eq3A_195 = vector.broadcast %reduce_min3A_163 : f32 to vector<16xf32>
      %eq3A_196 = arith.cmpf oeq, %scan3A_139#2, %eq3A_195 : vector<16xf32>
      %eq3A_197 = vector.broadcast %reduce_min3A_176 : i32 to vector<16xi32>
      %eq3A_198 = arith.cmpi eq, %scan3A_139#6, %eq3A_197 : vector<16xi32>
      %and3A_199 = arith.andi %eq3A_196, %eq3A_198 : vector<16xi1>
      %broadcast_in_dim3A_200 = vector.broadcast %scan3A_83 : f32 to vector<16xf32>
      %select_n3A_201 = arith.select %and3A_199, %broadcast_in_dim3A_200, %scan3A_139#2 : vector<16xi1>, vector<16xf32>
      %eq3A_202 = vector.broadcast %reduce_min3A_163 : f32 to vector<16xf32>
      %eq3A_203 = arith.cmpf oeq, %scan3A_139#3, %eq3A_202 : vector<16xf32>
      %eq3A_204 = vector.broadcast %reduce_min3A_176 : i32 to vector<16xi32>
      %eq3A_205 = arith.cmpi eq, %scan3A_139#7, %eq3A_204 : vector<16xi32>
      %and3A_206 = arith.andi %eq3A_203, %eq3A_205 : vector<16xi1>
      %broadcast_in_dim3A_207 = vector.broadcast %scan3A_83 : f32 to vector<16xf32>
      %select_n3A_208 = arith.select %and3A_206, %broadcast_in_dim3A_207, %scan3A_139#3 : vector<16xi1>, vector<16xf32>
      %lt3A_209 = arith.cmpf olt, %select_n3A_194, %select_n3A_187 : vector<16xf32>
      %eq3A_210 = arith.cmpf oeq, %select_n3A_194, %select_n3A_187 : vector<16xf32>
      %lt3A_211 = arith.cmpi slt, %scan3A_139#5, %scan3A_139#4 : vector<16xi32>
      %and3A_212 = arith.andi %eq3A_210, %lt3A_211 : vector<16xi1>
      %or3A_213 = arith.ori %lt3A_209, %and3A_212 : vector<16xi1>
      %select_n3A_214 = arith.select %or3A_213, %select_n3A_194, %select_n3A_187 : vector<16xi1>, vector<16xf32>
      %select_n3A_215 = arith.select %or3A_213, %scan3A_139#5, %scan3A_139#4 : vector<16xi1>, vector<16xi32>
      %lt3A_216 = arith.cmpf olt, %select_n3A_208, %select_n3A_201 : vector<16xf32>
      %eq3A_217 = arith.cmpf oeq, %select_n3A_208, %select_n3A_201 : vector<16xf32>
      %lt3A_218 = arith.cmpi slt, %scan3A_139#7, %scan3A_139#6 : vector<16xi32>
      %and3A_219 = arith.andi %eq3A_217, %lt3A_218 : vector<16xi1>
      %or3A_220 = arith.ori %lt3A_216, %and3A_219 : vector<16xi1>
      %select_n3A_221 = arith.select %or3A_220, %select_n3A_208, %select_n3A_201 : vector<16xi1>, vector<16xf32>
      %select_n3A_222 = arith.select %or3A_220, %scan3A_139#7, %scan3A_139#6 : vector<16xi1>, vector<16xi32>
      %lt3A_223 = arith.cmpf olt, %select_n3A_221, %select_n3A_214 : vector<16xf32>
      %eq3A_224 = arith.cmpf oeq, %select_n3A_221, %select_n3A_214 : vector<16xf32>
      %lt3A_225 = arith.cmpi slt, %select_n3A_222, %select_n3A_215 : vector<16xi32>
      %and3A_226 = arith.andi %eq3A_224, %lt3A_225 : vector<16xi1>
      %or3A_227 = arith.ori %lt3A_223, %and3A_226 : vector<16xi1>
      %select_n3A_228 = arith.select %or3A_227, %select_n3A_221, %select_n3A_214 : vector<16xi1>, vector<16xf32>
      %select_n3A_229 = arith.select %or3A_227, %select_n3A_222, %select_n3A_215 : vector<16xi1>, vector<16xi32>
      %reduce_min3A_230 = arith.constant true
      %reduce_min3A_231 = vector.broadcast %reduce_min3A_230 : i1 to vector<16xi1>
      %reduce_min3A_232 = tpu.scan <min>, %select_n3A_228 masked %reduce_min3A_231 : vector<16xf32>, vector<16xi1> -> vector<16xf32>
      %reduce_min3A_233 = vector.extract %reduce_min3A_232[15] : f32 from vector<16xf32>
      %eq3A_234 = vector.broadcast %reduce_min3A_233 : f32 to vector<16xf32>
      %eq3A_235 = arith.cmpf oeq, %select_n3A_228, %eq3A_234 : vector<16xf32>
      %jit3A_236 = arith.constant 1073741824 : i32
      %broadcast_in_dim3A_237 = vector.broadcast %jit3A_236 : i32 to vector<16xi32>
      %select_n3A_238 = arith.select %eq3A_235, %select_n3A_229, %broadcast_in_dim3A_237 : vector<16xi1>, vector<16xi32>
      %reduce_min3A_239 = arith.constant true
      %reduce_min3A_240 = vector.broadcast %reduce_min3A_239 : i1 to vector<16xi1>
      %reduce_min3A_241 = arith.constant -2147483648 : i32
      %reduce_min3A_242 = vector.broadcast %reduce_min3A_241 : i32 to vector<16xi32>
      %reduce_min3A_243 = arith.xori %select_n3A_238, %reduce_min3A_242 : vector<16xi32>
      %reduce_min3A_244 = tpu.scan <min>, %reduce_min3A_243 masked %reduce_min3A_240 : vector<16xi32>, vector<16xi1> -> vector<16xi32>
      %reduce_min3A_245 = arith.xori %reduce_min3A_244, %reduce_min3A_242 : vector<16xi32>
      %reduce_min3A_246 = vector.extract %reduce_min3A_245[15] : i32 from vector<16xi32>
      %eq3A_247 = vector.broadcast %scan3A_105 : i32 to vector<16xi32>
      %eq3A_248 = arith.cmpi eq, %iota3A, %eq3A_247 : vector<16xi32>
      %broadcast_in_dim3A_249 = vector.broadcast %reduce_min3A_246 : i32 to vector<16xi32>
      %select_n3A_250 = arith.select %eq3A_248, %broadcast_in_dim3A_249, %scan3A_107 : vector<16xi1>, vector<16xi32>
      %eq3A_251 = vector.broadcast %reduce_min3A_233 : f32 to vector<16xf32>
      %eq3A_252 = arith.cmpf oeq, %select_n3A_187, %eq3A_251 : vector<16xf32>
      %eq3A_253 = vector.broadcast %reduce_min3A_246 : i32 to vector<16xi32>
      %eq3A_254 = arith.cmpi eq, %scan3A_139#4, %eq3A_253 : vector<16xi32>
      %and3A_255 = arith.andi %eq3A_252, %eq3A_254 : vector<16xi1>
      %broadcast_in_dim3A_256 = vector.broadcast %scan3A_83 : f32 to vector<16xf32>
      %select_n3A_257 = arith.select %and3A_255, %broadcast_in_dim3A_256, %select_n3A_187 : vector<16xi1>, vector<16xf32>
      %eq3A_258 = vector.broadcast %reduce_min3A_233 : f32 to vector<16xf32>
      %eq3A_259 = arith.cmpf oeq, %select_n3A_194, %eq3A_258 : vector<16xf32>
      %eq3A_260 = vector.broadcast %reduce_min3A_246 : i32 to vector<16xi32>
      %eq3A_261 = arith.cmpi eq, %scan3A_139#5, %eq3A_260 : vector<16xi32>
      %and3A_262 = arith.andi %eq3A_259, %eq3A_261 : vector<16xi1>
      %broadcast_in_dim3A_263 = vector.broadcast %scan3A_83 : f32 to vector<16xf32>
      %select_n3A_264 = arith.select %and3A_262, %broadcast_in_dim3A_263, %select_n3A_194 : vector<16xi1>, vector<16xf32>
      %eq3A_265 = vector.broadcast %reduce_min3A_233 : f32 to vector<16xf32>
      %eq3A_266 = arith.cmpf oeq, %select_n3A_201, %eq3A_265 : vector<16xf32>
      %eq3A_267 = vector.broadcast %reduce_min3A_246 : i32 to vector<16xi32>
      %eq3A_268 = arith.cmpi eq, %scan3A_139#6, %eq3A_267 : vector<16xi32>
      %and3A_269 = arith.andi %eq3A_266, %eq3A_268 : vector<16xi1>
      %broadcast_in_dim3A_270 = vector.broadcast %scan3A_83 : f32 to vector<16xf32>
      %select_n3A_271 = arith.select %and3A_269, %broadcast_in_dim3A_270, %select_n3A_201 : vector<16xi1>, vector<16xf32>
      %eq3A_272 = vector.broadcast %reduce_min3A_233 : f32 to vector<16xf32>
      %eq3A_273 = arith.cmpf oeq, %select_n3A_208, %eq3A_272 : vector<16xf32>
      %eq3A_274 = vector.broadcast %reduce_min3A_246 : i32 to vector<16xi32>
      %eq3A_275 = arith.cmpi eq, %scan3A_139#7, %eq3A_274 : vector<16xi32>
      %and3A_276 = arith.andi %eq3A_273, %eq3A_275 : vector<16xi1>
      %broadcast_in_dim3A_277 = vector.broadcast %scan3A_83 : f32 to vector<16xf32>
      %select_n3A_278 = arith.select %and3A_276, %broadcast_in_dim3A_277, %select_n3A_208 : vector<16xi1>, vector<16xf32>
      %lt3A_279 = arith.cmpf olt, %select_n3A_264, %select_n3A_257 : vector<16xf32>
      %eq3A_280 = arith.cmpf oeq, %select_n3A_264, %select_n3A_257 : vector<16xf32>
      %lt3A_281 = arith.cmpi slt, %scan3A_139#5, %scan3A_139#4 : vector<16xi32>
      %and3A_282 = arith.andi %eq3A_280, %lt3A_281 : vector<16xi1>
      %or3A_283 = arith.ori %lt3A_279, %and3A_282 : vector<16xi1>
      %select_n3A_284 = arith.select %or3A_283, %select_n3A_264, %select_n3A_257 : vector<16xi1>, vector<16xf32>
      %select_n3A_285 = arith.select %or3A_283, %scan3A_139#5, %scan3A_139#4 : vector<16xi1>, vector<16xi32>
      %lt3A_286 = arith.cmpf olt, %select_n3A_278, %select_n3A_271 : vector<16xf32>
      %eq3A_287 = arith.cmpf oeq, %select_n3A_278, %select_n3A_271 : vector<16xf32>
      %lt3A_288 = arith.cmpi slt, %scan3A_139#7, %scan3A_139#6 : vector<16xi32>
      %and3A_289 = arith.andi %eq3A_287, %lt3A_288 : vector<16xi1>
      %or3A_290 = arith.ori %lt3A_286, %and3A_289 : vector<16xi1>
      %select_n3A_291 = arith.select %or3A_290, %select_n3A_278, %select_n3A_271 : vector<16xi1>, vector<16xf32>
      %select_n3A_292 = arith.select %or3A_290, %scan3A_139#7, %scan3A_139#6 : vector<16xi1>, vector<16xi32>
      %lt3A_293 = arith.cmpf olt, %select_n3A_291, %select_n3A_284 : vector<16xf32>
      %eq3A_294 = arith.cmpf oeq, %select_n3A_291, %select_n3A_284 : vector<16xf32>
      %lt3A_295 = arith.cmpi slt, %select_n3A_292, %select_n3A_285 : vector<16xi32>
      %and3A_296 = arith.andi %eq3A_294, %lt3A_295 : vector<16xi1>
      %or3A_297 = arith.ori %lt3A_293, %and3A_296 : vector<16xi1>
      %select_n3A_298 = arith.select %or3A_297, %select_n3A_291, %select_n3A_284 : vector<16xi1>, vector<16xf32>
      %select_n3A_299 = arith.select %or3A_297, %select_n3A_292, %select_n3A_285 : vector<16xi1>, vector<16xi32>
      %reduce_min3A_300 = arith.constant true
      %reduce_min3A_301 = vector.broadcast %reduce_min3A_300 : i1 to vector<16xi1>
      %reduce_min3A_302 = tpu.scan <min>, %select_n3A_298 masked %reduce_min3A_301 : vector<16xf32>, vector<16xi1> -> vector<16xf32>
      %reduce_min3A_303 = vector.extract %reduce_min3A_302[15] : f32 from vector<16xf32>
      %eq3A_304 = vector.broadcast %reduce_min3A_303 : f32 to vector<16xf32>
      %eq3A_305 = arith.cmpf oeq, %select_n3A_298, %eq3A_304 : vector<16xf32>
      %jit3A_306 = arith.constant 1073741824 : i32
      %broadcast_in_dim3A_307 = vector.broadcast %jit3A_306 : i32 to vector<16xi32>
      %select_n3A_308 = arith.select %eq3A_305, %select_n3A_299, %broadcast_in_dim3A_307 : vector<16xi1>, vector<16xi32>
      %reduce_min3A_309 = arith.constant true
      %reduce_min3A_310 = vector.broadcast %reduce_min3A_309 : i1 to vector<16xi1>
      %reduce_min3A_311 = arith.constant -2147483648 : i32
      %reduce_min3A_312 = vector.broadcast %reduce_min3A_311 : i32 to vector<16xi32>
      %reduce_min3A_313 = arith.xori %select_n3A_308, %reduce_min3A_312 : vector<16xi32>
      %reduce_min3A_314 = tpu.scan <min>, %reduce_min3A_313 masked %reduce_min3A_310 : vector<16xi32>, vector<16xi1> -> vector<16xi32>
      %reduce_min3A_315 = arith.xori %reduce_min3A_314, %reduce_min3A_312 : vector<16xi32>
      %reduce_min3A_316 = vector.extract %reduce_min3A_315[15] : i32 from vector<16xi32>
      %eq3A_317 = vector.broadcast %scan3A_105 : i32 to vector<16xi32>
      %eq3A_318 = arith.cmpi eq, %iota3A, %eq3A_317 : vector<16xi32>
      %broadcast_in_dim3A_319 = vector.broadcast %reduce_min3A_316 : i32 to vector<16xi32>
      %select_n3A_320 = arith.select %eq3A_318, %broadcast_in_dim3A_319, %scan3A_108 : vector<16xi1>, vector<16xi32>
      %eq3A_321 = vector.broadcast %reduce_min3A_303 : f32 to vector<16xf32>
      %eq3A_322 = arith.cmpf oeq, %select_n3A_257, %eq3A_321 : vector<16xf32>
      %eq3A_323 = vector.broadcast %reduce_min3A_316 : i32 to vector<16xi32>
      %eq3A_324 = arith.cmpi eq, %scan3A_139#4, %eq3A_323 : vector<16xi32>
      %and3A_325 = arith.andi %eq3A_322, %eq3A_324 : vector<16xi1>
      %broadcast_in_dim3A_326 = vector.broadcast %scan3A_83 : f32 to vector<16xf32>
      %select_n3A_327 = arith.select %and3A_325, %broadcast_in_dim3A_326, %select_n3A_257 : vector<16xi1>, vector<16xf32>
      %eq3A_328 = vector.broadcast %reduce_min3A_303 : f32 to vector<16xf32>
      %eq3A_329 = arith.cmpf oeq, %select_n3A_264, %eq3A_328 : vector<16xf32>
      %eq3A_330 = vector.broadcast %reduce_min3A_316 : i32 to vector<16xi32>
      %eq3A_331 = arith.cmpi eq, %scan3A_139#5, %eq3A_330 : vector<16xi32>
      %and3A_332 = arith.andi %eq3A_329, %eq3A_331 : vector<16xi1>
      %broadcast_in_dim3A_333 = vector.broadcast %scan3A_83 : f32 to vector<16xf32>
      %select_n3A_334 = arith.select %and3A_332, %broadcast_in_dim3A_333, %select_n3A_264 : vector<16xi1>, vector<16xf32>
      %eq3A_335 = vector.broadcast %reduce_min3A_303 : f32 to vector<16xf32>
      %eq3A_336 = arith.cmpf oeq, %select_n3A_271, %eq3A_335 : vector<16xf32>
      %eq3A_337 = vector.broadcast %reduce_min3A_316 : i32 to vector<16xi32>
      %eq3A_338 = arith.cmpi eq, %scan3A_139#6, %eq3A_337 : vector<16xi32>
      %and3A_339 = arith.andi %eq3A_336, %eq3A_338 : vector<16xi1>
      %broadcast_in_dim3A_340 = vector.broadcast %scan3A_83 : f32 to vector<16xf32>
      %select_n3A_341 = arith.select %and3A_339, %broadcast_in_dim3A_340, %select_n3A_271 : vector<16xi1>, vector<16xf32>
      %eq3A_342 = vector.broadcast %reduce_min3A_303 : f32 to vector<16xf32>
      %eq3A_343 = arith.cmpf oeq, %select_n3A_278, %eq3A_342 : vector<16xf32>
      %eq3A_344 = vector.broadcast %reduce_min3A_316 : i32 to vector<16xi32>
      %eq3A_345 = arith.cmpi eq, %scan3A_139#7, %eq3A_344 : vector<16xi32>
      %and3A_346 = arith.andi %eq3A_343, %eq3A_345 : vector<16xi1>
      %broadcast_in_dim3A_347 = vector.broadcast %scan3A_83 : f32 to vector<16xf32>
      %select_n3A_348 = arith.select %and3A_346, %broadcast_in_dim3A_347, %select_n3A_278 : vector<16xi1>, vector<16xf32>
      %lt3A_349 = arith.cmpf olt, %select_n3A_334, %select_n3A_327 : vector<16xf32>
      %eq3A_350 = arith.cmpf oeq, %select_n3A_334, %select_n3A_327 : vector<16xf32>
      %lt3A_351 = arith.cmpi slt, %scan3A_139#5, %scan3A_139#4 : vector<16xi32>
      %and3A_352 = arith.andi %eq3A_350, %lt3A_351 : vector<16xi1>
      %or3A_353 = arith.ori %lt3A_349, %and3A_352 : vector<16xi1>
      %select_n3A_354 = arith.select %or3A_353, %select_n3A_334, %select_n3A_327 : vector<16xi1>, vector<16xf32>
      %select_n3A_355 = arith.select %or3A_353, %scan3A_139#5, %scan3A_139#4 : vector<16xi1>, vector<16xi32>
      %lt3A_356 = arith.cmpf olt, %select_n3A_348, %select_n3A_341 : vector<16xf32>
      %eq3A_357 = arith.cmpf oeq, %select_n3A_348, %select_n3A_341 : vector<16xf32>
      %lt3A_358 = arith.cmpi slt, %scan3A_139#7, %scan3A_139#6 : vector<16xi32>
      %and3A_359 = arith.andi %eq3A_357, %lt3A_358 : vector<16xi1>
      %or3A_360 = arith.ori %lt3A_356, %and3A_359 : vector<16xi1>
      %select_n3A_361 = arith.select %or3A_360, %select_n3A_348, %select_n3A_341 : vector<16xi1>, vector<16xf32>
      %select_n3A_362 = arith.select %or3A_360, %scan3A_139#7, %scan3A_139#6 : vector<16xi1>, vector<16xi32>
      %lt3A_363 = arith.cmpf olt, %select_n3A_361, %select_n3A_354 : vector<16xf32>
      %eq3A_364 = arith.cmpf oeq, %select_n3A_361, %select_n3A_354 : vector<16xf32>
      %lt3A_365 = arith.cmpi slt, %select_n3A_362, %select_n3A_355 : vector<16xi32>
      %and3A_366 = arith.andi %eq3A_364, %lt3A_365 : vector<16xi1>
      %or3A_367 = arith.ori %lt3A_363, %and3A_366 : vector<16xi1>
      %select_n3A_368 = arith.select %or3A_367, %select_n3A_361, %select_n3A_354 : vector<16xi1>, vector<16xf32>
      %select_n3A_369 = arith.select %or3A_367, %select_n3A_362, %select_n3A_355 : vector<16xi1>, vector<16xi32>
      %reduce_min3A_370 = arith.constant true
      %reduce_min3A_371 = vector.broadcast %reduce_min3A_370 : i1 to vector<16xi1>
      %reduce_min3A_372 = tpu.scan <min>, %select_n3A_368 masked %reduce_min3A_371 : vector<16xf32>, vector<16xi1> -> vector<16xf32>
      %reduce_min3A_373 = vector.extract %reduce_min3A_372[15] : f32 from vector<16xf32>
      %eq3A_374 = vector.broadcast %reduce_min3A_373 : f32 to vector<16xf32>
      %eq3A_375 = arith.cmpf oeq, %select_n3A_368, %eq3A_374 : vector<16xf32>
      %jit3A_376 = arith.constant 1073741824 : i32
      %broadcast_in_dim3A_377 = vector.broadcast %jit3A_376 : i32 to vector<16xi32>
      %select_n3A_378 = arith.select %eq3A_375, %select_n3A_369, %broadcast_in_dim3A_377 : vector<16xi1>, vector<16xi32>
      %reduce_min3A_379 = arith.constant true
      %reduce_min3A_380 = vector.broadcast %reduce_min3A_379 : i1 to vector<16xi1>
      %reduce_min3A_381 = arith.constant -2147483648 : i32
      %reduce_min3A_382 = vector.broadcast %reduce_min3A_381 : i32 to vector<16xi32>
      %reduce_min3A_383 = arith.xori %select_n3A_378, %reduce_min3A_382 : vector<16xi32>
      %reduce_min3A_384 = tpu.scan <min>, %reduce_min3A_383 masked %reduce_min3A_380 : vector<16xi32>, vector<16xi1> -> vector<16xi32>
      %reduce_min3A_385 = arith.xori %reduce_min3A_384, %reduce_min3A_382 : vector<16xi32>
      %reduce_min3A_386 = vector.extract %reduce_min3A_385[15] : i32 from vector<16xi32>
      %eq3A_387 = vector.broadcast %scan3A_105 : i32 to vector<16xi32>
      %eq3A_388 = arith.cmpi eq, %iota3A, %eq3A_387 : vector<16xi32>
      %broadcast_in_dim3A_389 = vector.broadcast %reduce_min3A_386 : i32 to vector<16xi32>
      %select_n3A_390 = arith.select %eq3A_388, %broadcast_in_dim3A_389, %scan3A_109 : vector<16xi1>, vector<16xi32>
      %eq3A_391 = vector.broadcast %reduce_min3A_373 : f32 to vector<16xf32>
      %eq3A_392 = arith.cmpf oeq, %select_n3A_327, %eq3A_391 : vector<16xf32>
      %eq3A_393 = vector.broadcast %reduce_min3A_386 : i32 to vector<16xi32>
      %eq3A_394 = arith.cmpi eq, %scan3A_139#4, %eq3A_393 : vector<16xi32>
      %and3A_395 = arith.andi %eq3A_392, %eq3A_394 : vector<16xi1>
      %broadcast_in_dim3A_396 = vector.broadcast %scan3A_83 : f32 to vector<16xf32>
      %select_n3A_397 = arith.select %and3A_395, %broadcast_in_dim3A_396, %select_n3A_327 : vector<16xi1>, vector<16xf32>
      %eq3A_398 = vector.broadcast %reduce_min3A_373 : f32 to vector<16xf32>
      %eq3A_399 = arith.cmpf oeq, %select_n3A_334, %eq3A_398 : vector<16xf32>
      %eq3A_400 = vector.broadcast %reduce_min3A_386 : i32 to vector<16xi32>
      %eq3A_401 = arith.cmpi eq, %scan3A_139#5, %eq3A_400 : vector<16xi32>
      %and3A_402 = arith.andi %eq3A_399, %eq3A_401 : vector<16xi1>
      %broadcast_in_dim3A_403 = vector.broadcast %scan3A_83 : f32 to vector<16xf32>
      %select_n3A_404 = arith.select %and3A_402, %broadcast_in_dim3A_403, %select_n3A_334 : vector<16xi1>, vector<16xf32>
      %eq3A_405 = vector.broadcast %reduce_min3A_373 : f32 to vector<16xf32>
      %eq3A_406 = arith.cmpf oeq, %select_n3A_341, %eq3A_405 : vector<16xf32>
      %eq3A_407 = vector.broadcast %reduce_min3A_386 : i32 to vector<16xi32>
      %eq3A_408 = arith.cmpi eq, %scan3A_139#6, %eq3A_407 : vector<16xi32>
      %and3A_409 = arith.andi %eq3A_406, %eq3A_408 : vector<16xi1>
      %broadcast_in_dim3A_410 = vector.broadcast %scan3A_83 : f32 to vector<16xf32>
      %select_n3A_411 = arith.select %and3A_409, %broadcast_in_dim3A_410, %select_n3A_341 : vector<16xi1>, vector<16xf32>
      %eq3A_412 = vector.broadcast %reduce_min3A_373 : f32 to vector<16xf32>
      %eq3A_413 = arith.cmpf oeq, %select_n3A_348, %eq3A_412 : vector<16xf32>
      %eq3A_414 = vector.broadcast %reduce_min3A_386 : i32 to vector<16xi32>
      %eq3A_415 = arith.cmpi eq, %scan3A_139#7, %eq3A_414 : vector<16xi32>
      %and3A_416 = arith.andi %eq3A_413, %eq3A_415 : vector<16xi1>
      %broadcast_in_dim3A_417 = vector.broadcast %scan3A_83 : f32 to vector<16xf32>
      %select_n3A_418 = arith.select %and3A_416, %broadcast_in_dim3A_417, %select_n3A_348 : vector<16xi1>, vector<16xf32>
      scf.yield %select_n3A_180, %select_n3A_250, %select_n3A_320, %select_n3A_390 : vector<16xi32>, vector<16xi32>, vector<16xi32>, vector<16xi32>
    }
    %scan3A_89 = arith.constant 13 : i32
    %swap3A = arith.constant 0 : i32
    %swap3A_90 = arith.index_cast %swap3A : i32 to index
    %swap3A_91 = arith.constant 0 : index
    %swap3A_92 = tpu.vector_load %arg7[%swap3A_90, %swap3A_91] {strides = array<i32>} : memref<4x16xi32, #tpu.memory_space<vmem>>, vector<16xi32>,
    tpu.vector_store %arg7[%swap3A_90, %swap3A_91], %scan3A_88#0 {strides = array<i32>} : memref<4x16xi32, #tpu.memory_space<vmem>>, vector<16xi32>,
    %swap3A_93 = arith.constant 1 : i32
    %swap3A_94 = arith.index_cast %swap3A_93 : i32 to index
    %swap3A_95 = arith.constant 0 : index
    %swap3A_96 = tpu.vector_load %arg7[%swap3A_94, %swap3A_95] {strides = array<i32>} : memref<4x16xi32, #tpu.memory_space<vmem>>, vector<16xi32>,
    tpu.vector_store %arg7[%swap3A_94, %swap3A_95], %scan3A_88#1 {strides = array<i32>} : memref<4x16xi32, #tpu.memory_space<vmem>>, vector<16xi32>,
    %swap3A_97 = arith.constant 2 : i32
    %swap3A_98 = arith.index_cast %swap3A_97 : i32 to index
    %swap3A_99 = arith.constant 0 : index
    %swap3A_100 = tpu.vector_load %arg7[%swap3A_98, %swap3A_99] {strides = array<i32>} : memref<4x16xi32, #tpu.memory_space<vmem>>, vector<16xi32>,
    tpu.vector_store %arg7[%swap3A_98, %swap3A_99], %scan3A_88#2 {strides = array<i32>} : memref<4x16xi32, #tpu.memory_space<vmem>>, vector<16xi32>,
    %swap3A_101 = arith.constant 3 : i32
    %swap3A_102 = arith.index_cast %swap3A_101 : i32 to index
    %swap3A_103 = arith.constant 0 : index
    %swap3A_104 = tpu.vector_load %arg7[%swap3A_102, %swap3A_103] {strides = array<i32>} : memref<4x16xi32, #tpu.memory_space<vmem>>, vector<16xi32>,
    tpu.vector_store %arg7[%swap3A_102, %swap3A_103], %scan3A_88#3 {strides = array<i32>} : memref<4x16xi32, #tpu.memory_space<vmem>>, vector<16xi32>,
    "tpu.region"() ({
      %run_scoped3A = tpu.sem_alloc : memref<!tpu.dma_semaphore, #tpu.memory_space<semaphore_mem>>
      %dma_start3A = arith.constant 0 : i32
      %dma_start3A_105 = arith.constant 0 : i32
      %dma_start3A_106 = tpu.memref_slice %arg4[%add3A, %dma_start3A, %dma_start3A_105] : memref<32x4x16xi32, #tpu.memory_space<hbm>> -> memref<1x4x16xi32, #tpu.memory_space<hbm>>
      %dma_start3A_107 = tpu.memref_squeeze %dma_start3A_106 : memref<1x4x16xi32, #tpu.memory_space<hbm>> -> memref<4x16xi32, #tpu.memory_space<hbm>>
      %dma_start3A_108 = arith.constant 0 : i32
      %dma_start3A_109 = arith.constant 0 : i32
      %dma_start3A_110 = tpu.memref_slice %arg4[%add3A, %dma_start3A_108, %dma_start3A_109] : memref<32x4x16xi32, #tpu.memory_space<hbm>> -> memref<1x4x16xi32, #tpu.memory_space<hbm>>
      %dma_start3A_111 = tpu.memref_squeeze %dma_start3A_110 : memref<1x4x16xi32, #tpu.memory_space<hbm>> -> memref<4x16xi32, #tpu.memory_space<hbm>>
      tpu.enqueue_dma source(%arg7 : memref<4x16xi32, #tpu.memory_space<vmem>>) target(%dma_start3A_111 : memref<4x16xi32, #tpu.memory_space<hbm>>) target_semaphore(%run_scoped3A : memref<!tpu.dma_semaphore, #tpu.memory_space<semaphore_mem>>)
      %dma_wait3A = arith.constant 0 : i32
      %dma_wait3A_112 = arith.constant 0 : i32
      %dma_wait3A_113 = tpu.memref_slice %arg4[%add3A, %dma_wait3A, %dma_wait3A_112] : memref<32x4x16xi32, #tpu.memory_space<hbm>> -> memref<1x4x16xi32, #tpu.memory_space<hbm>>
      %dma_wait3A_114 = tpu.memref_squeeze %dma_wait3A_113 : memref<1x4x16xi32, #tpu.memory_space<hbm>> -> memref<4x16xi32, #tpu.memory_space<hbm>>
      %dma_wait3A_115 = arith.constant 0 : i32
      %dma_wait3A_116 = arith.constant 0 : i32
      %dma_wait3A_117 = tpu.memref_slice %arg4[%add3A, %dma_wait3A_115, %dma_wait3A_116] : memref<32x4x16xi32, #tpu.memory_space<hbm>> -> memref<1x4x16xi32, #tpu.memory_space<hbm>>
      %dma_wait3A_118 = tpu.memref_squeeze %dma_wait3A_117 : memref<1x4x16xi32, #tpu.memory_space<hbm>> -> memref<4x16xi32, #tpu.memory_space<hbm>>
      tpu.wait_dma2 semaphore(%run_scoped3A : memref<!tpu.dma_semaphore, #tpu.memory_space<semaphore_mem>>) src(%arg7 : memref<4x16xi32, #tpu.memory_space<vmem>>) dst(%dma_wait3A_118 : memref<4x16xi32, #tpu.memory_space<hbm>>)
      tpu.yield
    }) : () -> ()
    return
  }
}

</mosaic_0001>

<sc_bundles>
// kernel: kernel.3.cloned.1.call-start
scs
__scs_entry_jumppad:
0x0: {  	(pc) =	sbr.rel $0x88, $3  }
0x1: {  	(tag) =	ssettag $0x0;
	lr =	simm.s32 $0x1  }
0x2: {  	[smem:$0x3F9E] =	sst lr;
	_ =	strace $0xD0000000  }
0x3: {  	_ = 	snop  }
0x4: {  	_ = 	snop  }
0x5: {  	_ = 	snop  }
0x6: {  	_ = 	snop  }
0x7: {  	_ = 	snop  }
__scs_overlays_trampoline_lowered:
0x8: {  	[smem:$0x3FAD] =	sst s0  }
0x9: {  	[smem:$0x3FAE] =	sst s1  }
0xa: {  	[smem:$0x3FAF] =	sst s2  }
0xb: {  	[smem:$0x3FB0] =	sst s3  }
0xc: {  	[smem:$0x3FB1] =	sst s4  }
0xd: {  	[smem:$0x3FB2] =	sst s5  }
0xe: {  	[smem:$0x3FB3] =	sst s6  }
0xf: {  	[smem:$0x3FB4] =	sst s7  }
0x10: {  	[smem:$0x3FB5] =	sst s8  }
0x11: {  	[smem:$0x3FB6] =	sst s9;
	s0 =	simm.s32 @!p0 $0x0  }
0x12: {  	s1 =	sld [smem:$0x3F9C];
	s0 =	simm.s32 @p0 $0x1  }
0x13: {  	[smem:$0x3FB7] =	sst s0;
	s0 =	simm.s32 @!p1 $0x0  }
0x14: {  	s2 =	sld [smem:$0x3F9B];
	s0 =	simm.s32 @p1 $0x1  }
0x15: {  	[smem:$0x3FB8] =	sst s0;
	s0 =	simm.s32 @!p2 $0x0  }
0x16: {  	s3 =	sld [smem:$0x3FDB];
	s0 =	simm.s32 @p2 $0x1  }
0x17: {  	s4 =	simm.s32 $0x1BF5;
	[smem:$0x3FBA] =	sst s0  }
0x18: {  	s0 =	sld [smem:$0x3F9D];
	_ =	swait.ge [sflag:s4], $0x0  }
0x19: {  	s7 =	sld [smem:$0x3F9E]  }
0x1a: {  	s8 =	sadd.s32 $0xFFFFE003, lr  }
0x1b: {  	s9 =	sadd.s32 $0xFFFFFEF7, lr;
	s5 =	simm.s32 $0xFFFFFFFF;
	p2 =	slt.u32 s8, $0xFFFFF086  }
0x1c: {  	p1 =	slt.u32 s9, $0xF7A;
	s5 =	simm.s32 @!p2 $0x0  }
0x1d: {  	s5 =	simm.s32 @p1 $0x1;
	p0 =	seq.s32 s7, s2  }
0x1e: {  	s7 =	smul.u32 @!p0 $0xF7A, s2;
	p2 =	seq.s32 @!p0 s5, $0x0  }
0x1f: {  	s9 =	smul.u32 $0xF7A, s1;
	s8 =	simm.s32 @!p0 $0x1BF5;
	p2 =	por !p2, p0  }
0x20: {  	[sflag:s8] =	ssyncset.s32 @!p0 $0xFFFFF086;
	s6 =	sadd.s32 @!p0 s3, s7;
	s7 =	simm.s32 @!p0 $0x108  }
0x21: {  	s3 =	sadd.s32 s3, s9;
	s6 =	sadd.s32 @!p0 $0x88, s6;
	s7 =	simm.s32 @p2 $0x1082  }
0x22: {  	[simem:s7], [sflag:s8] =	dma.local @!p0 [hbm:s6], $0xF7A  }
0x23: {  	s9 =	sor.u32 $0xD0000000, s2;
	s6 =	simm.s32 $0x108;
	_ =	swait.ge @!p0 [sflag:s8], $0x0  }
0x24: {  	s3 =	sadd.s32 $0x88, s3;
	s6 =	simm.s32 @!p1 $0x1082;
	[sflag:s4] =	ssyncset.s32 $0xFFFFF086  }
0x25: {  	[simem:s6], [sflag:s4] =	dma.local [hbm:s3], $0xF7A  }
0x26: {  	[smem:$0x3F9E] =	sst s1;
	(tag) =	ssettag s2;
	_ =	strace s9  }
0x27: {  	s1 =	sld [smem:$0x3FAE]  }
0x28: {  	s2 =	sld [smem:$0x3FAF]  }
0x29: {  	s4 =	sld [smem:$0x3FB1]  }
0x2a: {  	p0 =	seq.s32 s5, $0x0;
	s5 =	sld [smem:$0x3FB2]  }
0x2b: {  	s6 =	sld [smem:$0x3FB3]  }
0x2c: {  	s7 =	sld [smem:$0x3FB4]  }
0x2d: {  	s3 =	simm.s32 $0x108;
	s8 =	sld [smem:$0x3FB5]  }
0x2e: {  	s3 =	simm.s32 @!p0 $0x1082;
	s9 =	sld [smem:$0x3FB6]  }
0x2f: {  	lr =	sadd.s32 s0, s3;
	s0 =	sld [smem:$0x3FAD]  }
0x30: {  	s3 =	sld [smem:$0x3FB0]  }
0x31: {  	[smem:$0x3FB9] =	sst s10  }
0x32: {  	s10 =	sld [smem:$0x3FB7];
	_ =	sdelay $0x3  }
0x33: {  	p0 =	seq.s32 s10, $0x1;
	s10 =	sld [smem:$0x3FB9];
	_ =	sdelay $0x3  }
0x34: {  	[smem:$0x3FB9] =	sst s10  }
0x35: {  	s10 =	sld [smem:$0x3FB8];
	_ =	sdelay $0x3  }
0x36: {  	p1 =	seq.s32 s10, $0x1;
	s10 =	sld [smem:$0x3FB9];
	_ =	sdelay $0x3  }
0x37: {  	[smem:$0x3FB9] =	sst s10  }
0x38: {  	s10 =	sld [smem:$0x3FBA]  }
0x39: {  	_ = 	snop;
	(pc) =	sbr.ind lr, $3  }
0x3a: {  	_ = 	snop  }
0x3b: {  	_ = 	snop  }
0x3c: {  	p2 =	seq.s32 s10, $0x1;
	s10 =	sld [smem:$0x3FB9]  }
0x3d: {  	_ =	shalt  }
0x3e: {  	_ =	shalt  }
0x3f: {  	_ =	shalt  }
0x40: {  	_ =	shalt  }
0x41: {  	_ =	shalt  }
0x42: {  	_ =	shalt  }
0x43: {  	_ =	shalt  }
0x44: {  	_ =	shalt  }
0x45: {  	_ =	shalt  }
0x46: {  	_ =	shalt  }
0x47: {  	_ =	shalt  }
0x48: {  	_ =	shalt  }
0x49: {  	_ =	shalt  }
0x4a: {  	_ =	shalt  }
0x4b: {  	_ =	shalt  }
0x4c: {  	_ =	shalt  }
0x4d: {  	_ =	shalt  }
0x4e: {  	_ =	shalt  }
0x4f: {  	_ =	shalt  }
0x50: {  	_ =	shalt  }
0x51: {  	_ =	shalt  }
0x52: {  	_ =	shalt  }
0x53: {  	_ =	shalt  }
0x54: {  	_ =	shalt  }
0x55: {  	_ =	shalt  }
0x56: {  	_ =	shalt  }
0x57: {  	_ =	shalt  }
0x58: {  	_ =	shalt  }
0x59: {  	_ =	shalt  }
0x5a: {  	_ =	shalt  }
0x5b: {  	_ =	shalt  }
0x5c: {  	_ =	shalt  }
0x5d: {  	_ =	shalt  }
0x5e: {  	_ =	shalt  }
0x5f: {  	_ =	shalt  }
0x60: {  	_ =	shalt  }
0x61: {  	_ =	shalt  }
0x62: {  	_ =	shalt  }
0x63: {  	_ =	shalt  }
0x64: {  	_ =	shalt  }
0x65: {  	_ =	shalt  }
0x66: {  	_ =	shalt  }
0x67: {  	_ =	shalt  }
0x68: {  	_ =	shalt  }
0x69: {  	_ =	shalt  }
0x6a: {  	_ =	shalt  }
0x6b: {  	_ =	shalt  }
0x6c: {  	_ =	shalt  }
0x6d: {  	_ =	shalt  }
0x6e: {  	_ =	shalt  }
0x6f: {  	_ =	shalt  }
0x70: {  	_ =	shalt  }
0x71: {  	_ =	shalt  }
0x72: {  	_ =	shalt  }
0x73: {  	_ =	shalt  }
0x74: {  	_ =	shalt  }
0x75: {  	_ =	shalt  }
0x76: {  	_ =	shalt  }
0x77: {  	_ =	shalt  }
0x78: {  	_ =	shalt  }
0x79: {  	_ =	shalt  }
0x7a: {  	_ =	shalt  }
0x7b: {  	_ =	shalt  }
0x7c: {  	_ =	shalt  }
0x7d: {  	_ =	shalt  }
0x7e: {  	_ =	shalt  }
0x7f: {  	_ =	shalt  }
0x80: {  	_ =	shalt  }
0x81: {  	_ =	shalt  }
0x82: {  	_ =	shalt  }
0x83: {  	_ =	shalt  }
0x84: {  	_ =	shalt  }
0x85: {  	_ =	shalt  }
0x86: {  	_ =	shalt  }
0x87: {  	_ =	shalt  }
.Lfunc_end0:
.L_simem_size_0:
called_computation_lowered:
.L_overlay_start_0:
0x88: {  	s2 =	sld [smem:$0x3FD9]  }
0x89: {  	s3 =	sld [smem:$0x3FFE];
	_ =	sdelay $0x1  }
0x8a: {  	s1 =	srdreg.scid  }
0x8b: {  	s0 =	sand.u32 $0x1, s1  }
0x8c: {  	s14 =	sshll.u32 s0, $0xA;
	s2 =	sadd.s32 s3, s2  }
0x8d: {  	s2 =	sadd.s32 s2, s14  }
0x8e: {  	[smem:$0x3FC5] =	sst s2  }
0x8f: {  	_ = 	snop  }
0x90: {  	s2 =	sld [smem:$0x3FD0];
	_ =	sdelay $0x2  }
0x91: {  	s15 =	simm.s32 $0xA;
	s4 =	simm.s32 $0x10  }
0x92: {  	[smem:s4], [sflag:s15] =	dma.local [hbm:s2], $0x1  }
0x93: {  	_ =	swait.eq [sflag:s15], $0x1  }
0x94: {  	[sflag:s15] =	ssyncset.done $0x0  }
0x95: {  	[sflag:s15] =	ssyncadd.s32 $0xFFFFFFFF  }
0x96: {  	s16 =	sld [smem:$0x11];
	(tm) =	ssettm $0x1  }
0x97: {  	s17 =	sld [smem:$0x3FFB];
	_ =	sdelay $0x3  }
0x98: {  	_ =	strace s17  }
0x99: {  	s3 =	sld [smem:$0x3FFC];
	_ =	sdelay $0x3  }
0x9a: {  	_ =	strace s3  }
0x9b: {  	s3 =	sld [smem:$0x3FFD];
	_ =	sdelay $0x3  }
0x9c: {  	_ =	strace s3  }
0x9d: {  	_ =	strace $0x8FFFFFFF  }
0x9e: {  	s18 =	sld [smem:$0x3FDB];
	_ =	sdelay $0x1  }
0x9f: {  	s19 =	simm.s32 $_scs_section_size  }
0xa0: {  	s5 =	simm.s32 $_size__tile_overlayer_lowered;
	s6 =	simm.s32 $_tile_overlayer_lowered  }
0xa1: {  	s22 =	simm.s32 $0x1BFF;
	s21 =	sshll.u32 s6, $0x1;
	s3 =	sadd.s32 s19, s18  }
0xa2: {  	s7 =	simm.s32 $0x0;
	s20 =	sshll.u32 s5, $0x1;
	s5 =	sadd.s32 s21, s3  }
0xa3: {  	[timem:s7], [sflag:s22] =	dma.local [hbm:s5], s20  }
0xa4: {  	_ =	swait.ge [sflag:s22], s20  }
0xa5: {  	s4 =	ssub.s32 $0x0, s20;
	[sflag:s22] =	ssyncset.done $0x0  }
0xa6: {  	[sflag:s22] =	ssyncadd.s32 s4;
	_ =	sdelay $0x1  }
0xa7: {  	s23 =	simm.s32 $0x1B8B  }
0xa8: {  	_ =	swait.ge [sflag:s23], $0x1  }
0xa9: {  	[sflag:s23] =	ssyncset.done $0x0  }
0xaa: {  	s25 =	simm.s32 $0x1B8E;
	s24 =	sld [smem:$0x3FFE];
	[sflag:s23] =	ssyncadd.s32 $0xFFFFFFFF  }
0xab: {  	s26 =	simm.s32 $execute0_lowered;
	[smem:$0x3FD2] =	sst s25  }
0xac: {  	s5 =	sshll.u32 s26, $0x1;
	_ =	strace $0x80000046;
	[dreg:$0x1] =	wrdreg $0xFFFFFFFF  }
0xad: {  	s28 =	simm.s32 $_size_execute0_lowered;
	s3 =	sadd.s32 s3, s5;
	[dreg:$0x0] =	wrdreg $0x0  }
0xae: {  	s5 =	sshll.u32 s28, $0x1;
	[dreg:$0x2] =	wrdreg s3  }
0xaf: {  	[dreg:$0x3] =	wrdreg s5  }
0xb0: {  	[dreg:$0x4] =	wrdreg $0xC0  }
0xb1: {  	_ =	task [dreg:s7], $0x5FFFF  }
0xb2: {  	[dreg:$0x1] =	wrdreg $0xFFFFFFFF  }
0xb3: {  	[dreg:$0x0] =	wrdreg $0x60  }
0xb4: {  	[dreg:$0x2] =	wrdreg s24  }
0xb5: {  	[dreg:$0x3] =	wrdreg s16  }
0xb6: {  	[dreg:$0x4] =	wrdreg $0x9  }
0xb7: {  	_ =	task.clear_ibuf [dreg:s7], $0x5FFFF;
	_ =	strace $0x90000046  }
0xb8: {  	s29 =	simm.s32 $0x9;
	_ =	strace $0x80000048  }
0xb9: {  	_ =	swait.ge [sflag:s29], $0x1  }
0xba: {  	[sflag:s29] =	ssyncadd.s32 $0xFFFFFFFF  }
0xbb: {  	_ =	strace $0x90000048  }
0xbc: {  	_ =	sfence  }
0xbd: {  	s30 =	sld [smem:$0x0];
	_ =	sdelay $0x2  }
0xbe: {  	s31 =	sshll.u32 s1, $0xD;
	s1 =	sshrl.u32 s1, $0x2  }
0xbf: {  	s3 =	sand.u32 $0x4000, s31;
	s1 =	sadd.s32 s1, s30  }
0xc0: {  	s0 =	sor.u32 s3, s0;
	s1 =	sshll.u32 s1, $0x11  }
0xc1: {  	s0 =	sor.u32 s1, s0  }
0xc2: {  	s0 =	sadd.s32 $0x8F2B, s0  }
0xc3: {  	[sflag:s0] =	ssyncadd.remote.s32 $0x1  }
0xc4: {  	_ =	sfence.sel $0xFFFF  }
0xc5: {  	[dreg:$0x0] =	wrdreg $0xFFFFFFFF;
	(pc) =	sbr.abs _section_cstart, $3  }
0xc6: {  	[dreg:$0x1] =	wrdreg $0xFFFFFFFF  }
0xc7: {  	_ =	task.clear_ibuf [dreg:s7], $0x2FFFF;
	_ =	strace $0x9FFFFFFF  }
0xc8: {  	(tm) =	ssettm $0x7FFFFFFF  }
0xc9: {  	_ =	shalt  }
tec
execute0_lowered:
.L_overlay_start_1:
0x0: {  	(tag) =	ssettag $0x1  }
0x1: {  	s0 =	srdreg.scid  }
0x2: {  	s5 =	sand.u32 $0x1, s0  }
0x3: {  	s0 =	stileid.u32;
	s1 =	sshll.u32 s5, $0x4  }
0x4: {  	s7 =	sand.u32 $0x3, s0;
	s6 =	sor.u32 s0, s1  }
0x5: {  	p1 =	sne.s32 s7, $0x0;
	p0 =	seq.s32 s6, $0x0  }
0x6: {  	p0 =	por !p1, !p0  }
0x7: {  	s1 =	simm.s32 $0x1;
	p0 =	por !p0, !p0  }
0x8: {  	s2 =	sshrl.u32 s6, $0x2;
	s1 =	simm.s32 @!p0 $0x0  }
0x9: {  	s1 =	ssub.s32 s2, s1  }
0xa: {  	s2 =	sshrl.u32 s1, $0xD  }
0xb: {  	s2 =	sand.u32 $0x3, s2  }
0xc: {  	s2 =	sadd.s32 s2, s1  }
0xd: {  	s3 =	sand.u32 $0xFFFFFFFC, s2  }
0xe: {  	s3 =	ssub.s32 s1, s3  }
0xf: {  	s4 =	sand.u32 $0xFF, s3  }
0x10: {  	p5 =	slt.s32 s1, $0x1;
	p6 =	sne.s32 s4, $0x0  }
0x11: {  	s8 =	rddreg [dreg:$0x0];
	s5 =	ssub.s32 $0x2, s5;
	p0 =	por !p5, !p6  }
0x12: {  	s11 =	sshrl.u32 s5, $0x1;
	s1 =	simm.s32 $0x1;
	p0 =	por !p0, !p0  }
0x13: {  	s2 =	sshrl.u32 s2, $0x2;
	s9 =	sand.u32 $0x3, s3;
	s1 =	simm.s32 @!p0 $0x0  }
0x14: {  	s6 =	sshll.u32 s6, $0x6;
	s10 =	smul.u32 $0x13A00, s9;
	s1 =	ssub.s32 s2, s1  }
0x15: {  	s31 =	ssub.s32 s5, s11;
	s3 =	simm.s32 $0x0;
	s29 =	smul.u32 $0x4E800, s1  }
0x16: {  	s11 =	simm.s32 $0x0;
	[smem:$0x7FF] =	sst s3;
	s30 =	smul.u32 $0x32, s9  }
0x17: {  	s9 =	simm.s32 $0x13A00;
	p0 =	seq.s32 s7, $0x3;
	s4 =	sadd.s32 s10, s29  }
.Ltmp0:
0x18: {  	s2 =	rddreg [dreg:$0x1];
	s10 =	sshrl.u32 s4, $0x3;
	(pc) =	sbr.rel .LBB2_1-.Ltmp0, $4  }
0x19: {  	s10 =	sadd.s32 s10, s8;
	s8 =	sadd.s32 s6, s8;
	s6 =	smul.u32 $0xD, s7  }
0x1a: {  	s1 =	rddreg [dreg:$0x2];
	_ =	strace $0x80000047;
	s4 =	simm.s32 $0x1  }
0x1b: {  	s5 =	sadd.s32 $0xA00, s10;
	s7 =	sadd.s32 $0x14400, s8;
	s6 =	simm.s32 @p0 $0x25  }
0x1c: {  	v0 =	vlaneseq.u32;
	s8 =	smax.u32 s31, $0x1;
	s10 =	simm.s32 $0x13D80;
	s6 =	sadd.s32 s6, s30  }
.LBB2_12:
0x1d: {  	[tilespmem:$0x13D80] =	vst v5  }
0x1e: {  	[tilespmem:$0x13E00] =	vst v4;
	s11 =	sadd.s32 $0x1, s11  }
0x1f: {  	[tilespmem:$0x13E80] =	vst v3;
	p0 =	sne.s32 s11, s8  }
.Ltmp1:
0x20: {  	[tilespmem:$0x13F00] =	vst v2;
	(pc) =	sbr.rel @!p0 .LBB2_13-.Ltmp1, $4  }
0x21: {  	[hbm4b:s7+s3] =	stream.linear.scatter [tilespmem:s10], [sflag:$0x1], $0x200, $0x38;
	[tilespmem:$0x13F80] =	vst v63  }
0x22: {  	_ =	swait.ge [sflag:s4], $0x200  }
0x23: {  	[sflag:s4] =	ssyncset.done $0x0  }
0x24: {  	[sflag:s4] =	ssyncadd.s32 $0xFFFFFE00  }
.LBB2_1:
0x25: {  	[tilespmem:s3], [sflag:$0x1] =	stream.linear.gather [hbm4b:s5+s3], $0x13A00, $0x38;
	[tilespmem:$0x13F80] =	vst v63  }
0x26: {  	_ =	swait.ge [sflag:s4], $0x13A00  }
0x27: {  	[sflag:s4] =	ssyncset.done $0x0  }
0x28: {  	[sflag:s4] =	ssyncadd.s32 $0xFFFEC600  }
0x29: {  	[tilespmem:s9], [sflag:$0x1] =	stream.linear.gather [hbm4b:s2+s3], $0x380, $0x38;
	[tilespmem:$0x13F80] =	vst v63  }
0x2a: {  	_ =	swait.ge [sflag:s4], $0x380  }
0x2b: {  	s12 =	sand.u32 $0x70, s3;
	s13 =	sand.u32 $0x1FE00, s3;
	[sflag:s4] =	ssyncset.done $0x0  }
0x2c: {  	s12 =	sor.u32 s12, s13;
	[sflag:s4] =	ssyncadd.s32 $0xFFFFFC80  }
0x2d: {  	v1 =	vld [tilespmem:s12+$0x180]  }
0x2e: {  	v5 =	vld [tilespmem:s12+$0x100]  }
0x2f: {  	v3 =	vld [tilespmem:s12+$0x80]  }
0x30: {  	v6 =	vld [tilespmem:s12+$0x0];
	_ =	sdelay $0x3  }
0x31: {  	s15 =	simm.s32 $0x10;
	s13 =	simm.s32 $0x40;
	v2 =	vadd.f32 v1, v3;
	v3 =	vsub.f32 v1, v3  }
0x32: {  	s14 =	simm.s32 $0x20;
	s15 =	sand.u32 $0x70, s15;
	s16 =	sand.u32 $0x1FE00, s13;
	v4 =	vadd.f32 v5, v6;
	v5 =	vsub.f32 v5, v6  }
.LBB2_2:
0x33: {  	p0 =	sne.s32 s14, $0x4E10  }
0x34: {  	s15 =	sor.u32 s15, s16;
	v2 =	vmul.f32 $5.000000000e-01, v2;
	[tilespmem:s12+$0x180] =	vst v3;
	v1 =	vimm.s32 $0x0;
	s16 =	smov.u32 s14;
	s14 =	sadd.s32 $0x10, s14  }
0x35: {  	v3 =	vld [tilespmem:s15+$0x180];
	v4 =	vmul.f32 $5.000000000e-01, v4;
	[tilespmem:s12+$0x100] =	vst v5  }
0x36: {  	v5 =	vld [tilespmem:s15+$0x100];
	[tilespmem:s12+$0x80] =	vst v2  }
0x37: {  	v6 =	vld [tilespmem:s15+$0x80];
	[tilespmem:s12+$0x0] =	vst v4;
	s12 =	smov.u32 s15  }
0x38: {  	v7 =	vld [tilespmem:s12+$0x0]  }
.Ltmp2:
0x39: {  	(pc) =	sbr.rel @p0 .LBB2_2-.Ltmp2, $3  }
0x3a: {  	_ =	sdelay $0x1  }
0x3b: {  	s13 =	sadd.s32 $0x40, s13;
	v2 =	vadd.f32 v3, v6;
	v3 =	vsub.f32 v3, v6  }
0x3c: {  	s15 =	sand.u32 $0x70, s16;
	s16 =	sand.u32 $0x1FE00, s13;
	v4 =	vadd.f32 v5, v7;
	v5 =	vsub.f32 v5, v7  }
0x3d: {  	s13 =	sor.u32 s15, s16;
	v2 =	vmul.f32 $5.000000000e-01, v2;
	[tilespmem:s12+$0x180] =	vst v3  }
0x3e: {  	v3 =	vld [tilespmem:s13+$0x180];
	v4 =	vmul.f32 $5.000000000e-01, v4;
	[tilespmem:s12+$0x100] =	vst v5  }
0x3f: {  	v5 =	vld [tilespmem:s13+$0x100];
	[tilespmem:s12+$0x80] =	vst v2  }
0x40: {  	v2 =	vld [tilespmem:s13+$0x80];
	[tilespmem:s12+$0x0] =	vst v4  }
0x41: {  	v4 =	vld [tilespmem:s13+$0x0];
	_ =	sdelay $0x3  }
0x42: {  	v6 =	vadd.f32 v3, v2;
	v2 =	vsub.f32 v3, v2  }
0x43: {  	v3 =	vadd.f32 v5, v4;
	v4 =	vsub.f32 v5, v4  }
0x44: {  	v5 =	vmul.f32 $5.000000000e-01, v6;
	[tilespmem:s13+$0x180] =	vst v2  }
0x45: {  	v3 =	vmul.f32 $5.000000000e-01, v3;
	[tilespmem:s13+$0x100] =	vst v4  }
0x46: {  	v2 =	vimm.s32 $0x0;
	[tilespmem:s13+$0x80] =	vst v5  }
0x47: {  	s12 =	simm.s32 $0x0;
	v4 =	vimm.s32 $0x0;
	v5 =	vimm.s32 $0x0;
	[tilespmem:s13+$0x0] =	vst v3;
	v3 =	vimm.s32 $0x0;
	s13 =	simm.s32 $0x0  }
.LBB2_4:
0x48: {  	s14 =	sadd.s32 s13, s6  }
0x49: {  	s14 =	sshll.u32 s14, $0x2  }
0x4a: {  	s14 =	sand.u32 $0x3FFFFFFC, s14  }
0x4b: {  	v6 =	vld [tilespmem:s14+$0x13A00];
	_ =	sdelay $0x4  }
0x4c: {  	(v2sf) =	vpush v6, $0x0  }
0x4d: {  	(v2sf) =	vpush v6, $0x1  }
0x4e: {  	(v2sf) =	vpush v6, $0x2  }
0x4f: {  	(v2sf) =	vpush v6, $0x3;
	_ =	sdelay $0xb  }
0x50: {  	s29 =	spop (v2sf)  }
0x51: {  	s15 =	spop (v2sf)  }
0x52: {  	s17 =	sand.u32 $0x70, s12;
	s18 =	sand.u32 $0x1FE00, s12;
	s16 =	spop (v2sf)  }
0x53: {  	s17 =	sor.u32 s17, s18;
	s19 =	spop (v2sf)  }
0x54: {  	v6 =	vld [tilespmem:s17+$0x80];
	s30 =	sadd.f32 s19, s15;
	_ =	sdelay $0x1  }
0x55: {  	p2 =	por $0x1, $0x1;
	v10 =	vld [tilespmem:s17+$0x0];
	s20 =	sadd.f32 s16, s29;
	s18 =	smul.f32 $5.000000000e-01, s30  }
.Ltmp3:
0x56: {  	s14 =	ssub.f32 s16, s29;
	(pc) =	sbr.rel @!p2 .LBB2_5-.Ltmp3, $4  }
0x57: {  	s15 =	ssub.f32 s19, s15;
	s31 =	smul.f32 $5.000000000e-01, s20;
	v14 =	vmov s18  }
0x58: {  	v7 =	vlaneseq.u32;
	v12 =	vsub.f32 v6, v14  }
0x59: {  	p0 =	por $0x0, $0x0;
	v13 =	vld [tilespmem:s17+$0x180];
	v8 =	vmov s14;
	v9 =	vmov s15;
	v15 =	vmov s31  }
0x5a: {  	p1 =	por $0x0, $0x0;
	v18 =	vld [tilespmem:s17+$0x100];
	s14 =	simm.s32 $0x10;
	s15 =	simm.s32 $0x40;
	v11 =	vsub.f32 v10, v15;
	v6 =	vimm.f32 $+Inf;
	v10 =	vand.u32 $0x7FFFFFFF, v12  }
0x5b: {  	s14 =	sand.u32 $0x70, s14;
	s15 =	sand.u32 $0x1FE00, s15  }
0x5c: {  	s15 =	sor.u32 s14, s15  }
0x5d: {  	v12 =	vld [tilespmem:s15+$0x80];
	_ =	sdelay $0x1  }
0x5e: {  	p2 =	por $0x1, $0x1;
	v17 =	vld [tilespmem:s15+$0x0]  }
.Ltmp4:
0x5f: {  	_ = 	snop;
	(pc) =	sbr.rel @!p2 .LBB2_7-.Ltmp4, $4  }
0x60: {  	v11 =	vand.u32 $0x7FFFFFFF, v11;
	v13 =	vsub.f32 v13, v9;
	v18 =	vsub.f32 v18, v8  }
0x61: {  	v19 =	vadd.f32 v10, v11;
	v12 =	vsub.f32 v12, v14  }
0x62: {  	v16 =	vand.u32 $0x7FFFFFFF, v13;
	v13 =	vld [tilespmem:s15+$0x180];
	v20 =	vand.u32 $0x7FFFFFFF, v18  }
0x63: {  	p0 =	por $0x1, $0x1;
	s14 =	simm.s32 $0x20;
	v18 =	vld [tilespmem:s15+$0x100];
	s15 =	simm.s32 $0x80;
	v11 =	vsub.f32 v17, v15;
	v29 =	vadd.f32 v20, v19;
	v10 =	vand.u32 $0x7FFFFFFF, v12  }
0x64: {  	s14 =	sand.u32 $0x70, s14;
	s15 =	sand.u32 $0x1FE00, s15  }
0x65: {  	s14 =	sor.u32 s14, s15;
	v12 =	vadd.f32 v16, v29  }
0x66: {  	v17 =	vadd.s32 $0x10, v7;
	v24 =	vimm.s32 $0x0;
	v25 =	vimm.s32 $0x0;
	v19 =	vld [tilespmem:s14+$0x80]  }
0x67: {  	v11 =	vand.u32 $0x7FFFFFFF, v11;
	v22 =	vld [tilespmem:s14+$0x0];
	v13 =	vsub.f32 v13, v9;
	vm0 =	vlt.f32 v12, v6  }
0x68: {  	v23 =	vadd.f32 v10, v11;
	v18 =	vsub.f32 v18, v8;
	v20 =	vsel vm0, v7, v1  }
0x69: {  	p2 =	por $0x1, $0x1;
	v28 =	vsel vm0, v1, v7;
	v16 =	vand.u32 $0x7FFFFFFF, v13;
	v13 =	vsel vm0, v6, v12  }
.Ltmp5:
0x6a: {  	v12 =	vsel vm0, v12, v6;
	v18 =	vand.u32 $0x7FFFFFFF, v18;
	vm1 =	vlt.f32 v13, v6;
	(pc) =	sbr.rel @!p2 .LBB2_9-.Ltmp5, $4  }
0x6b: {  	v31 =	vsel vm1, v6, v13;
	v19 =	vsub.f32 v19, v14;
	v21 =	vsel vm1, v13, v6  }
0x6c: {  	v11 =	vsub.f32 v22, v15;
	v26 =	vsel vm1, v1, v28;
	v29 =	vadd.f32 v18, v23;
	v13 =	vld [tilespmem:s14+$0x180]  }
0x6d: {  	v22 =	vimm.f32 $+Inf;
	v18 =	vld [tilespmem:s14+$0x100];
	v23 =	vimm.f32 $+Inf;
	vm0 =	vlt.f32 v31, v6  }
0x6e: {  	p1 =	por $0x1, $0x1;
	s15 =	simm.s32 $0x30;
	v27 =	vmovc v17;
	v30 =	vmovc v20;
	s14 =	simm.s32 $0xC0;
	v10 =	vand.u32 $0x7FFFFFFF, v19;
	v32 =	vsel vm0, v6, v31;
	v19 =	vimm.s32 $0x0  }
.LBB2_10:
0x6f: {  	s18 =	smov.u32 s15  }
0x70: {  	s16 =	sand.u32 $0x70, s15;
	s17 =	sand.u32 $0x1FE00, s14;
	v22 =	vsel vm0, v31, v22;
	v31 =	vsel vm0, v19, v26;
	vm2 =	vlt.f32 v32, v23;
	s18 =	sadd.s32 $0x10, s15  }
0x71: {  	p2 =	sne.s32 s15, $0x4E10;
	v24 =	vsel vm1, v28, v24;
	s16 =	sor.u32 s16, s17;
	v29 =	vadd.f32 v16, v29;
	v23 =	vsel vm2, v32, v23  }
0x72: {  	v13 =	vsub.f32 v13, v9;
	v25 =	vsel vm2, v31, v25;
	v18 =	vsub.f32 v18, v8;
	v32 =	vld [tilespmem:s16+$0x80]  }
0x73: {  	v17 =	vadd.s32 $0x10, v17;
	v19 =	vsel vm0, v26, v19;
	vm2 =	vlt.f32 v29, v12;
	v33 =	vld [tilespmem:s16+$0x0]  }
0x74: {  	v16 =	vand.u32 $0x7FFFFFFF, v13;
	v20 =	vsel vm2, v27, v20;
	v26 =	vsel vm2, v12, v29  }
.Ltmp6:
0x75: {  	v34 =	vand.u32 $0x7FFFFFFF, v18;
	v28 =	vsel vm2, v30, v27;
	v27 =	vmovc v17;
	vm1 =	vlt.f32 v26, v21;
	v30 =	vmovc v20;
	(pc) =	sbr.rel @p2 .LBB2_10-.Ltmp6, $4  }
0x76: {  	v11 =	vand.u32 $0x7FFFFFFF, v11;
	v12 =	vsel vm2, v29, v12;
	v31 =	vsel vm1, v21, v26;
	v13 =	vld [tilespmem:s16+$0x180]  }
0x77: {  	v21 =	vsel vm1, v26, v21;
	v29 =	vsub.f32 v32, v14;
	v18 =	vld [tilespmem:s16+$0x100];
	v32 =	vadd.f32 v10, v11  }
0x78: {  	v26 =	vsel vm1, v24, v28;
	vm0 =	vlt.f32 v31, v22;
	v11 =	vsub.f32 v33, v15  }
0x79: {  	s14 =	sadd.s32 $0x40, s14;
	s15 =	smov.u32 s18;
	v10 =	vand.u32 $0x7FFFFFFF, v29;
	v29 =	vadd.f32 v34, v32;
	v32 =	vsel vm0, v22, v31  }
.LBB2_11:
0x7a: {  	v14 =	vsel @p1 vm0, v31, v22  }
0x7b: {  	v15 =	vsel @p1 vm0, v19, v26;
	vm2 =	vlt.f32 @p1 v32, v23;
	v22 =	vsel @p1 vm1, v28, v24  }
0x7c: {  	v16 =	vadd.f32 @p0 v16, v29;
	v23 =	vsel @p1 vm2, v32, v23;
	v9 =	vsub.f32 v13, v9  }
0x7d: {  	v13 =	vsel @p1 vm2, v15, v25;
	v15 =	vadd.s32 @p0 $0x10, v17;
	v17 =	vsel @p1 vm0, v26, v19  }
0x7e: {  	v8 =	vsub.f32 v18, v8;
	v15 =	vpsel p0, v15, v7;
	v7 =	vand.u32 $0x7FFFFFFF, v11  }
0x7f: {  	v17 =	vpsel p1, v17, v1;
	v13 =	vpsel p1, v13, v1;
	vm1 =	vlt.f32 @p0 v16, v12  }
0x80: {  	v9 =	vand.u32 $0x7FFFFFFF, v9;
	v7 =	vadd.f32 v10, v7;
	v10 =	vpsel p1, v14, v6  }
0x81: {  	v18 =	vsel @p0 vm1, v27, v20;
	v19 =	vsel @p0 vm1, v12, v16;
	v8 =	vand.u32 $0x7FFFFFFF, v8  }
0x82: {  	v20 =	vsel @p0 vm1, v30, v27;
	v11 =	vsel @p0 vm1, v16, v12;
	v16 =	vpsel p1, v22, v1  }
0x83: {  	vm0 =	vlt.f32 @p0 v19, v21;
	v18 =	vpsel p0, v18, v1;
	v7 =	vadd.f32 v8, v7  }
0x84: {  	v11 =	vpsel p0, v11, v6;
	v12 =	vsel @p0 vm0, v21, v19;
	v14 =	vsel @p0 vm0, v19, v21  }
0x85: {  	v19 =	vsel @p0 vm0, v16, v20;
	v21 =	vpsel p1, v23, v6;
	vm0 =	vmmov @p0 vm0  }
0x86: {  	v20 =	vpsel p0, v20, v0;
	vm1 =	vlt.f32 @p0 v12, v10;
	v19 =	vpsel p0, v19, v0  }
0x87: {  	v14 =	vpsel p0, v14, v6;
	v9 =	vadd.f32 v9, v7;
	v8 =	vsel @p0 vm1, v10, v12  }
0x88: {  	vm1 =	vmmov @p0 vm1;
	v12 =	vpsel p0, v12, v0;
	v8 =	vpsel p0, v8, v0  }
0x89: {  	v10 =	vsel @p0 vm1, v12, v10;
	v7 =	vsel @p0 vm1, v17, v19;
	v12 =	vsel @p0 vm0, v20, v16  }
0x8a: {  	vm7 =	vlt.f32 v9, v11;
	v16 =	vsel @p0 vm1, v19, v17;
	vm2 =	vlt.f32 @p0 v8, v21  }
0x8b: {  	v39 =	vsel vm7, v11, v9;
	v11 =	vsel vm7, v9, v11;
	v10 =	vpsel p0, v10, v6  }
0x8c: {  	v12 =	vpsel p0, v12, v1;
	v16 =	vpsel p0, v16, v1;
	v8 =	vsel @p0 vm2, v8, v21  }
0x8d: {  	v13 =	vsel @p0 vm2, v7, v13;
	v7 =	vsel vm7, v15, v18;
	vm8 =	vlt.f32 v39, v14  }
0x8e: {  	v15 =	vsel vm7, v18, v15;
	v40 =	vsel vm8, v14, v39;
	v14 =	vsel vm8, v39, v14  }
0x8f: {  	v41 =	vsel vm8, v12, v15;
	v8 =	vpsel p0, v8, v6;
	v13 =	vpsel p0, v13, v1  }
0x90: {  	v6 =	vsel vm8, v15, v12;
	vm9 =	vlt.f32 v40, v10;
	vm11 =	vlt.f32 v14, v11  }
0x91: {  	vm12 =	veq.f32 v14, v11;
	vm1 =	vlt.s32 v6, v7;
	v42 =	vsel vm9, v10, v40  }
0x92: {  	v10 =	vsel vm9, v40, v10;
	v43 =	vsel vm9, v16, v41;
	vm10 =	vlt.f32 v42, v8  }
0x93: {  	v46 =	vsel vm9, v41, v16;
	v44 =	vsel vm10, v42, v8;
	v45 =	vsel vm10, v43, v13  }
0x94: {  	vm3 =	vmand vm12, vm1;
	vm4 =	veq.f32 v44, v10;
	vm0 =	vlt.s32 v45, v46  }
0x95: {  	vm2 =	vmor vm11, vm3;
	vm13 =	vlt.f32 v44, v10;
	vm4 =	vmand vm4, vm0  }
0x96: {  	v47 =	vsel vm2, v14, v11;
	vm3 =	vmor vm13, vm4  }
0x97: {  	v15 =	vsel vm2, v6, v7;
	v48 =	vsel vm3, v44, v10;
	v17 =	vsel vm3, v45, v46  }
0x98: {  	vm14 =	veq.f32 v48, v47;
	vm3 =	vlt.s32 v17, v15  }
0x99: {  	vm15 =	vlt.f32 v48, v47;
	vm2 =	vmand vm14, vm3  }
0x9a: {  	vm2 =	vmor vm15, vm2  }
0x9b: {  	v13 =	vsel vm2, v48, v47  }
0x9c: {  	(xrf0) =	vmin.scan.msk.f32 $0xffff, v13;
	_ =	sdelay $0x5  }
0x9d: {  	v49, _, _ =	vpop (xrf0)  }
0x9e: {  	v16 =	vbroadcast v49, $0xF  }
0x9f: {  	v15 =	vsel vm2, v17, v15  }
0xa0: {  	v50 =	vxor.u32 $0x80000000, v15;
	vm8 =	veq.f32 v13, v16  }
0xa1: {  	v13 =	vnsel vm8, $0xC0000000, v50  }
0xa2: {  	(xrf0) =	vmin.scan.msk.u32 $0xffff, v13;
	_ =	sdelay $0x5  }
0xa3: {  	v13, _, _ =	vpop (xrf0)  }
0xa4: {  	(v2sf) =	vpush v13, $0xF;
	_ =	sdelay $0xe  }
0xa5: {  	s14 =	spop (v2sf)  }
0xa6: {  	vm9 =	veq.f32 v11, v16;
	vm11 =	veq.f32 v14, v16;
	s14 =	sxor.u32 $0x80000000, s14  }
0xa7: {  	vm14 =	veq.f32 v10, v16;
	vm5 =	veq.f32 v44, v16;
	vm10 =	veq.s32 v7, s14  }
0xa8: {  	vm12 =	veq.s32 v6, s14;
	vm15 =	veq.s32 v46, s14;
	vm6 =	veq.s32 v45, s14  }
0xa9: {  	vm2 =	vmand vm9, vm10;
	vm13 =	vmand vm11, vm12;
	vm8 =	vmand vm14, vm15  }
0xaa: {  	vm9 =	vmand vm5, vm6;
	v11 =	vsel vm2, $0x7F800000, v11;
	v51 =	vsel vm13, $0x7F800000, v14  }
0xab: {  	v10 =	vsel vm8, $0x7F800000, v10;
	v12 =	vsel vm9, $0x7F800000, v44;
	vm10 =	veq.f32 v51, v11  }
0xac: {  	vm11 =	vlt.f32 v51, v11;
	vm12 =	veq.f32 v12, v10;
	vm2 =	vmand vm1, vm10  }
0xad: {  	vm13 =	vlt.f32 v12, v10;
	vm4 =	vmand vm0, vm12;
	vm2 =	vmor vm11, vm2  }
0xae: {  	vm3 =	vmor vm13, vm4;
	v14 =	vsel vm2, v51, v11  }
0xaf: {  	v52 =	vsel vm2, v6, v7;
	v53 =	vsel vm3, v12, v10;
	v54 =	vsel vm3, v45, v46  }
0xb0: {  	vm14 =	veq.f32 v53, v14;
	vm3 =	vlt.s32 v54, v52  }
0xb1: {  	vm15 =	vlt.f32 v53, v14;
	vm2 =	vmand vm14, vm3  }
0xb2: {  	vm2 =	vmor vm15, vm2  }
0xb3: {  	v14 =	vsel vm2, v53, v14  }
0xb4: {  	(xrf0) =	vmin.scan.msk.f32 $0xffff, v14;
	_ =	sdelay $0x5  }
0xb5: {  	v55, _, _ =	vpop (xrf0)  }
0xb6: {  	v16 =	vbroadcast v55, $0xF  }
0xb7: {  	v15 =	vsel vm2, v54, v52  }
0xb8: {  	v56 =	vxor.u32 $0x80000000, v15;
	vm6 =	veq.f32 v14, v16  }
0xb9: {  	v14 =	vnsel vm6, $0xC0000000, v56  }
0xba: {  	(xrf0) =	vmin.scan.msk.u32 $0xffff, v14;
	_ =	sdelay $0x5  }
0xbb: {  	v14, _, _ =	vpop (xrf0)  }
0xbc: {  	(v2sf) =	vpush v14, $0xF;
	_ =	sdelay $0xe  }
0xbd: {  	s15 =	spop (v2sf)  }
0xbe: {  	vm7 =	veq.f32 v11, v16;
	vm9 =	veq.f32 v51, v16;
	s15 =	sxor.u32 $0x80000000, s15  }
0xbf: {  	vm12 =	veq.f32 v10, v16;
	vm14 =	veq.f32 v12, v16;
	vm8 =	veq.s32 v7, s15  }
0xc0: {  	vm10 =	veq.s32 v6, s15;
	vm13 =	veq.s32 v46, s15;
	vm15 =	veq.s32 v45, s15  }
0xc1: {  	vm2 =	vmand vm7, vm8;
	vm11 =	vmand vm9, vm10;
	vm8 =	vmand vm12, vm13  }
0xc2: {  	vm9 =	vmand vm14, vm15;
	v11 =	vsel vm2, $0x7F800000, v11;
	v13 =	vsel vm11, $0x7F800000, v51  }
0xc3: {  	v10 =	vsel vm8, $0x7F800000, v10;
	v12 =	vsel vm9, $0x7F800000, v12;
	vm10 =	veq.f32 v13, v11  }
0xc4: {  	vm11 =	vlt.f32 v13, v11;
	vm12 =	veq.f32 v12, v10;
	vm2 =	vmand vm1, vm10  }
0xc5: {  	vm13 =	vlt.f32 v12, v10;
	vm4 =	vmand vm0, vm12;
	vm2 =	vmor vm11, vm2  }
0xc6: {  	vm3 =	vmor vm13, vm4;
	v57 =	vsel vm2, v13, v11  }
0xc7: {  	v58 =	vsel vm2, v6, v7;
	v59 =	vsel vm3, v12, v10;
	v60 =	vsel vm3, v45, v46  }
0xc8: {  	vm14 =	veq.f32 v59, v57;
	vm3 =	vlt.s32 v60, v58  }
0xc9: {  	vm15 =	vlt.f32 v59, v57;
	vm2 =	vmand vm14, vm3  }
0xca: {  	vm2 =	vmor vm15, vm2  }
0xcb: {  	v14 =	vsel vm2, v59, v57  }
0xcc: {  	(xrf0) =	vmin.scan.msk.f32 $0xffff, v14;
	_ =	sdelay $0x5  }
0xcd: {  	v61, _, _ =	vpop (xrf0)  }
0xce: {  	v16 =	vbroadcast v61, $0xF  }
0xcf: {  	v15 =	vsel vm2, v60, v58  }
0xd0: {  	v62 =	vxor.u32 $0x80000000, v15;
	vm5 =	veq.f32 v14, v16  }
0xd1: {  	v14 =	vnsel vm5, $0xC0000000, v62  }
0xd2: {  	(xrf0) =	vmin.scan.msk.u32 $0xffff, v14;
	_ =	sdelay $0x5  }
0xd3: {  	v14, _, _ =	vpop (xrf0)  }
0xd4: {  	(v2sf) =	vpush v14, $0xF;
	_ =	sdelay $0xe  }
0xd5: {  	s16 =	spop (v2sf)  }
0xd6: {  	vm6 =	veq.f32 v11, v16;
	vm8 =	veq.f32 v13, v16;
	s16 =	sxor.u32 $0x80000000, s16  }
0xd7: {  	vm11 =	veq.f32 v10, v16;
	vm13 =	veq.f32 v12, v16;
	vm7 =	veq.s32 v7, s16  }
0xd8: {  	vm9 =	veq.s32 v6, s16;
	vm12 =	veq.s32 v46, s16;
	vm14 =	veq.s32 v45, s16  }
0xd9: {  	vm2 =	vmand vm6, vm7;
	vm10 =	vmand vm8, vm9;
	vm15 =	vmand vm11, vm12  }
0xda: {  	vm7 =	vmand vm13, vm14;
	v11 =	vsel vm2, $0x7F800000, v11;
	v13 =	vsel vm10, $0x7F800000, v13  }
0xdb: {  	v10 =	vsel vm15, $0x7F800000, v10;
	v12 =	vsel vm7, $0x7F800000, v12;
	vm8 =	veq.f32 v13, v11  }
0xdc: {  	vm9 =	vlt.f32 v13, v11;
	vm10 =	veq.f32 v12, v10;
	vm1 =	vmand vm1, vm8  }
0xdd: {  	vm11 =	vlt.f32 v12, v10;
	vm0 =	vmand vm0, vm10;
	vm1 =	vmor vm9, vm1  }
0xde: {  	vm0 =	vmor vm11, vm0;
	v11 =	vsel vm1, v13, v11  }
0xdf: {  	v6 =	vsel vm1, v6, v7;
	v7 =	vsel vm0, v12, v10;
	v8 =	vsel vm0, v45, v46  }
0xe0: {  	vm12 =	veq.f32 v7, v11;
	vm1 =	vlt.s32 v8, v6  }
0xe1: {  	vm13 =	vlt.f32 v7, v11;
	vm0 =	vmand vm12, vm1  }
0xe2: {  	vm0 =	vmor vm13, vm0  }
0xe3: {  	v7 =	vsel vm0, v7, v11  }
0xe4: {  	(xrf0) =	vmin.scan.msk.f32 $0xffff, v7;
	_ =	sdelay $0x5  }
0xe5: {  	v63, _, _ =	vpop (xrf0)  }
0xe6: {  	v9 =	vbroadcast v63, $0xF  }
0xe7: {  	v6 =	vsel vm0, v8, v6  }
0xe8: {  	v6 =	vxor.u32 $0x80000000, v6;
	vm14 =	veq.f32 v7, v9  }
0xe9: {  	v6 =	vnsel vm14, $0xC0000000, v6  }
0xea: {  	(xrf0) =	vmin.scan.msk.u32 $0xffff, v6;
	_ =	sdelay $0x5  }
0xeb: {  	v6, _, _ =	vpop (xrf0)  }
0xec: {  	(v2sf) =	vpush v6, $0xF;
	_ =	sdelay $0xa  }
0xed: {  	v6 =	vmov s13;
	s13 =	sadd.s32 $0x1, s13  }
0xee: {  	p0 =	sne.s32 s13, $0xD  }
.Ltmp7:
0xef: {  	_ = 	snop;
	(pc) =	sbr.rel @p0 .LBB2_4-.Ltmp7, $4  }
.Ltmp8:
0xf0: {  	_ = 	snop;
	(pc) =	sbr.rel @!p0 .LBB2_12-.Ltmp8, $4  }
0xf1: {  	vm15 =	veq.s32 v6, v0;
	s17 =	spop (v2sf)  }
0xf2: {  	v5 =	vsel vm15, s14, v5;
	s31 =	sxor.u32 $0x80000000, s17  }
0xf3: {  	v4 =	vsel vm15, s15, v4;
	v3 =	vsel vm15, s16, v3;
	v2 =	vsel vm15, s31, v2  }
0xf4: {  	_ = 	snop  }
.LBB2_5:
.Ltmp9:
0xf5: {  	(pc) =	sbr.rel .LBB2_11-.Ltmp9, $4  }
0xf6: {  	_ = 	snop  }
0xf7: {  	v22 =	vimm.f32 $+Inf;
	v19 =	vimm.s32 $0x0;
	v23 =	vimm.f32 $+Inf  }
0xf8: {  	v24 =	vimm.s32 $0x0;
	v25 =	vimm.s32 $0x0;
	v12 =	vimm.f32 $+Inf  }
0xf9: {  	v17 =	vlaneseq.u32;
	v20 =	vimm.s32 $0x0;
	v21 =	vimm.f32 $+Inf  }
.LBB2_7:
.Ltmp10:
0xfa: {  	(pc) =	sbr.rel .LBB2_11-.Ltmp10, $4  }
0xfb: {  	v22 =	vimm.f32 $+Inf;
	v19 =	vimm.s32 $0x0  }
0xfc: {  	v23 =	vimm.f32 $+Inf;
	v24 =	vimm.s32 $0x0;
	v25 =	vimm.s32 $0x0  }
0xfd: {  	v12 =	vimm.f32 $+Inf;
	v17 =	vlaneseq.u32;
	v27 =	vlaneseq.u32  }
0xfe: {  	v20 =	vimm.s32 $0x0;
	v30 =	vimm.s32 $0x0;
	v21 =	vimm.f32 $+Inf  }
.LBB2_9:
.Ltmp11:
0xff: {  	(pc) =	sbr.rel .LBB2_11-.Ltmp11, $3  }
0x100: {  	_ =	sdelay $0x1  }
0x101: {  	v22 =	vimm.f32 $+Inf;
	v19 =	vimm.s32 $0x0  }
0x102: {  	v23 =	vimm.f32 $+Inf;
	v24 =	vimm.s32 $0x0;
	v25 =	vimm.s32 $0x0;
	v27 =	vmovc v17;
	v30 =	vmovc v20  }
.LBB2_13:
0x103: {  	_ =	sfence.sel $0x180000  }
0x104: {  	[bflag:$0x0] =	sbarrier.arrive $0xFFFF  }
0x105: {  	p0 =	sne.s32 s0, $0x0;
	_ =	strace $0x90000047  }
0x106: {  	s0 =	sadd.s32 @!p0 $0x100000, s1;
	[bflag:$0x2] =	sbarrier.arrive $0xFFFF  }
0x107: {  	[sflag:s0] =	ssyncadd.tile.s32 @!p0 $0x1;
	_ =	shalt  }
.Lfunc_end2:
_tile_overlayer_lowered:
.L_overlay_start_2:
0x108: {  	(tag) =	ssettag $0x2  }
0x109: {  	s0 =	rddreg [dreg:$0x0];
	s2 =	stileid.u32  }
0x10a: {  	s1 =	rddreg [dreg:$0x1];
	p0 =	sne.s32 s2, $0x0  }
0x10b: {  	s3 =	rddreg [dreg:$0x2];
	[bflag:$0x3] =	sbarrier.arrive $0xFFFF;
	s2 =	simm.s32 @!p0 $0x1C01  }
0x10c: {  	[timem:s3], [sflag:s2] =	dma.local @!p0 [hbm:s0], s1  }
0x10d: {  	s0 =	simm.s32 @!p0 $0x1  }
0x10e: {  	_ =	swait.ge @!p0 [sflag:s0], s1  }
0x10f: {  	s1 =	ssub.s32 @!p0 $0x0, s1;
	[sflag:s0] =	ssyncset.done @!p0 $0x0  }
0x110: {  	[sflag:s0] =	ssyncadd.s32 @!p0 s1  }
0x111: {  	[bflag:$0x3] =	sbarrier.arrive $0xFFFF  }
0x112: {  	_ =	shalt  }

</sc_bundles>
